<compile_context>
chip_gen: v7x
topology: tpu7x:2x2x1
jax: 0.10.2.dev20260603
libtpu: 0.0.44.dev20260713+nightly
codegen_flags: <defaults>
</compile_context>

<pallas_src>
import jax
import jax.numpy as jnp
from jax.experimental import pallas as pl
from jax.experimental.pallas import tpu as pltpu
from jax.experimental.pallas import tpu_sc as plsc

N = 2048
H = 1024
INTER = 768
E = 8
TM = 384
NPAIR = 2 * N
PMAX = NPAIR + E * TM
MAXT = -(-NPAIR // TM) + E
NWORKERS = 32


def _router_dispatch_kernel(x_ref, wg_ref, tri_ref, w01_ref, pos_ref,
                            smap_ref):
    x = x_ref[...]
    logits = jax.lax.dot_general(
        x, wg_ref[...], (((1,), (1,)), ((), ())),
        preferred_element_type=jnp.float32)
    m = jnp.max(logits, axis=1, keepdims=True)
    p = jnp.exp(logits - m)
    p = p / jnp.sum(p, axis=1, keepdims=True)

    lane8 = jax.lax.broadcasted_iota(jnp.int32, (N, E), 1)
    v1 = jnp.max(p, axis=1, keepdims=True)
    i1 = jnp.min(jnp.where(p == v1, lane8, E), axis=1, keepdims=True)
    oh1 = (lane8 == i1)
    p2 = jnp.where(oh1, -1.0, p)
    v2 = jnp.max(p2, axis=1, keepdims=True)
    i2 = jnp.min(jnp.where(p2 == v2, lane8, E), axis=1, keepdims=True)
    oh2 = (lane8 == i2)
    s = v1 + v2
    w01_ref[...] = jnp.concatenate([v1 / s, v2 / s], axis=1)

    oh1f = oh1.astype(jnp.bfloat16)
    oh2f = oh2.astype(jnp.bfloat16)
    full = (oh1f + oh2f).astype(jnp.float8_e4m3fn)
    cumT = jax.lax.dot_general(
        full, tri_ref[...], (((0,), (0,)), ((), ())),
        preferred_element_type=jnp.float32)
    i8 = jax.lax.broadcasted_iota(jnp.int32, (E, E), 0)
    j8 = jax.lax.broadcasted_iota(jnp.int32, (E, E), 1)
    eye8 = (i8 == j8).astype(jnp.bfloat16)
    oh1T = jax.lax.dot_general(
        eye8, oh1f, (((1,), (1,)), ((), ())),
        preferred_element_type=jnp.float32)
    oh2T = jax.lax.dot_general(
        eye8, oh2f, (((1,), (1,)), ((), ())),
        preferred_element_type=jnp.float32)
    fullT = oh1T + oh2T
    counts = cumT[:, N - 1:N] + fullT[:, N - 1:N]
    counts_i = counts.astype(jnp.int32)
    padded = (((counts_i + TM - 1) // TM) * TM).astype(jnp.float32)
    c = padded
    for sh in (1, 2, 4):
        z = jnp.zeros((sh, 1), jnp.float32)
        c = c + jnp.concatenate([z, c[:E - sh]], axis=0)
    offsets = c - padded
    total = jnp.sum(padded, axis=0, keepdims=True)

    rank0 = jnp.sum(oh1T * cumT, axis=0, keepdims=True)
    rank1 = jnp.sum(oh2T * cumT, axis=0, keepdims=True)
    off0 = jnp.sum(oh1T * offsets, axis=0, keepdims=True)
    off1 = jnp.sum(oh2T * offsets, axis=0, keepdims=True)
    pos0 = off0 + rank0
    pos1 = off1 + rank1
    pos_ref[...] = jnp.concatenate([pos0, pos1], axis=0).astype(jnp.int32)

    lanet = jax.lax.broadcasted_iota(
        jnp.int32, (1, MAXT), 1).astype(jnp.float32)
    tstart = lanet * TM
    map_e = jnp.sum((offsets <= tstart).astype(jnp.float32),
                    axis=0, keepdims=True) - 1.0
    valid = tstart < total
    last = total / TM - 1.0
    map_x = jnp.where(valid, lanet, last)
    last_e = jnp.sum(jnp.where(lanet == last, map_e, 0.0),
                     axis=1, keepdims=True)
    map_e = jnp.where(valid, map_e, last_e)
    smap_ref[...] = jnp.concatenate(
        [map_x, map_e, valid.astype(jnp.float32)], axis=0).astype(jnp.int32)


def _sc_dispatch_gather(pos_hbm, x32_hbm, xs_hbm,
                        pidx_v, buf0, buf1, buf2, gsem, ssem):
    cid = jax.lax.axis_index("c")
    sid = jax.lax.axis_index("s")
    wid = cid * 16 + sid
    per = NPAIR // NWORKERS
    ch = per // 4
    tbase = jax.lax.rem(wid * per, N)

    pltpu.sync_copy(pos_hbm.at[wid], pidx_v)

    bufs = (buf0, buf1, buf2)
    gs = [None] * 4
    ss = [None] * 4
    for k in range(4):
        if k >= 3:
            ss[k - 3].wait()
        gs[k] = pltpu.async_copy(
            x32_hbm.at[pl.ds(tbase + k * ch, ch)], bufs[k % 3], gsem)
        if k >= 1:
            gs[k - 1].wait()
            ss[k - 1] = pltpu.async_copy(
                bufs[(k - 1) % 3], xs_hbm.at[pidx_v.at[k - 1]], ssem)
    gs[3].wait()
    ss[3] = pltpu.async_copy(bufs[3 % 3], xs_hbm.at[pidx_v.at[3]], ssem)
    ss[1].wait()
    ss[2].wait()
    ss[3].wait()


def _gemm_kernel(sm_ref, xs_ref, gw_ref, uw_ref, dw_ref, ys_ref):
    t = pl.program_id(0)

    @pl.when(sm_ref[2, t] == 1)
    def _():
        xx = xs_ref[...].astype(jnp.bfloat16)
        g = jax.lax.dot_general(
            xx, gw_ref[0].astype(jnp.bfloat16), (((1,), (1,)), ((), ())),
            preferred_element_type=jnp.float32)
        u = jax.lax.dot_general(
            xx, uw_ref[0].astype(jnp.bfloat16), (((1,), (1,)), ((), ())),
            preferred_element_type=jnp.float32)
        h = (g * jax.nn.sigmoid(g) * u).astype(jnp.bfloat16)
        ys_ref[...] = jax.lax.dot_general(
            h, dw_ref[0].astype(jnp.bfloat16), (((1,), (1,)), ((), ())),
            preferred_element_type=jnp.float32)


def _sc_combine(pos_hbm, ys_hbm, ya_hbm, yb_hbm,
                idx_v, buf0, buf1, buf2, gsem, ssem):
    cid = jax.lax.axis_index("c")
    sid = jax.lax.axis_index("s")
    wid = cid * 16 + sid
    nt = N // NWORKERS
    ch = nt // 2
    tb = wid * nt

    pltpu.sync_copy(pos_hbm.at[pl.ds(tb, nt)], idx_v.at[pl.ds(0, nt)])
    pltpu.sync_copy(pos_hbm.at[pl.ds(N + tb, nt)], idx_v.at[pl.ds(nt, nt)])

    bufs = (buf0, buf1, buf2)
    dsts = (ya_hbm, ya_hbm, yb_hbm, yb_hbm)
    offs = (tb, tb + ch, tb, tb + ch)
    gs = [None] * 4
    ss = [None] * 4
    for k in range(4):
        if k >= 3:
            ss[k - 3].wait()
        gs[k] = pltpu.async_copy(
            ys_hbm.at[idx_v.at[pl.ds(k * ch, ch)]], bufs[k % 3], gsem)
        if k >= 1:
            gs[k - 1].wait()
            ss[k - 1] = pltpu.async_copy(
                bufs[(k - 1) % 3], dsts[k - 1].at[pl.ds(offs[k - 1], ch)],
                ssem)
    gs[3].wait()
    ss[3] = pltpu.async_copy(bufs[3 % 3], dsts[3].at[pl.ds(offs[3], ch)],
                             ssem)
    ss[1].wait()
    ss[2].wait()
    ss[3].wait()


def _combine_kernel(w01_ref, ya_ref, yb_ref, out_ref):
    w = w01_ref[...]
    out_ref[...] = (w[:, 0:1] * ya_ref[...] + w[:, 1:2] * yb_ref[...])


@jax.jit
def kernel(hidden_states, Wg, gate_w, up_w, down_w):
    B, S, _ = hidden_states.shape
    x = hidden_states.reshape(N, H)

    ti = jax.lax.broadcasted_iota(jnp.int32, (N, N), 0)
    tj = jax.lax.broadcasted_iota(jnp.int32, (N, N), 1)
    tri = (ti < tj).astype(jnp.float8_e4m3fn)

    w01, pos, smap = pl.pallas_call(
        _router_dispatch_kernel,
        grid=(1,),
        in_specs=[
            pl.BlockSpec((N, H), lambda i: (0, 0)),
            pl.BlockSpec((E, H), lambda i: (0, 0)),
            pl.BlockSpec((N, N), lambda i: (0, 0)),
        ],
        out_specs=[
            pl.BlockSpec((N, 2), lambda i: (0, 0)),
            pl.BlockSpec((2, N), lambda i: (0, 0)),
            pl.BlockSpec((3, MAXT), lambda i: (0, 0)),
        ],
        out_shape=[
            jax.ShapeDtypeStruct((N, 2), jnp.float32),
            jax.ShapeDtypeStruct((2, N), jnp.int32),
            jax.ShapeDtypeStruct((3, MAXT), jnp.int32),
        ],
    )(x, Wg, tri)

    pos_flat = pos.reshape(NPAIR)

    mesh = plsc.VectorSubcoreMesh(core_axis_name="c", subcore_axis_name="s")
    pos3 = pos_flat.reshape(NWORKERS, 4, NPAIR // NWORKERS // 4)
    xs = pl.kernel(
        _sc_dispatch_gather,
        out_type=jax.ShapeDtypeStruct((PMAX, H), jnp.float32),
        mesh=mesh,
        scratch_types=[
            pltpu.VMEM((4, NPAIR // NWORKERS // 4), jnp.int32),
            pltpu.VMEM((NPAIR // NWORKERS // 4, H), jnp.float32),
            pltpu.VMEM((NPAIR // NWORKERS // 4, H), jnp.float32),
            pltpu.VMEM((NPAIR // NWORKERS // 4, H), jnp.float32),
            pltpu.SemaphoreType.DMA,
            pltpu.SemaphoreType.DMA,
        ],
    )(pos3, x)

    ys = pl.pallas_call(
        _gemm_kernel,
        grid_spec=pltpu.PrefetchScalarGridSpec(
            num_scalar_prefetch=1,
            grid=(MAXT,),
            in_specs=[
                pl.BlockSpec((TM, H), lambda t, sm: (sm[0, t], 0)),
                pl.BlockSpec((1, INTER, H), lambda t, sm: (sm[1, t], 0, 0)),
                pl.BlockSpec((1, INTER, H), lambda t, sm: (sm[1, t], 0, 0)),
                pl.BlockSpec((1, H, INTER), lambda t, sm: (sm[1, t], 0, 0)),
            ],
            out_specs=pl.BlockSpec((TM, H), lambda t, sm: (sm[0, t], 0)),
        ),
        out_shape=jax.ShapeDtypeStruct((PMAX, H), jnp.float32),
    )(smap, xs, gate_w, up_w, down_w)

    ya, yb = pl.kernel(
        _sc_combine,
        out_type=[
            jax.ShapeDtypeStruct((N, H), jnp.float32),
            jax.ShapeDtypeStruct((N, H), jnp.float32),
        ],
        mesh=mesh,
        scratch_types=[
            pltpu.VMEM((2 * (N // NWORKERS),), jnp.int32),
            pltpu.VMEM((N // NWORKERS // 2, H), jnp.float32),
            pltpu.VMEM((N // NWORKERS // 2, H), jnp.float32),
            pltpu.VMEM((N // NWORKERS // 2, H), jnp.float32),
            pltpu.SemaphoreType.DMA,
            pltpu.SemaphoreType.DMA,
        ],
    )(pos_flat, ys)

    out = pl.pallas_call(
        _combine_kernel,
        grid=(4,),
        in_specs=[
            pl.BlockSpec((N // 4, 2), lambda i: (i, 0)),
            pl.BlockSpec((N // 4, H), lambda i: (i, 0)),
            pl.BlockSpec((N // 4, H), lambda i: (i, 0)),
        ],
        out_specs=pl.BlockSpec((N // 4, H), lambda i: (i, 0)),
        out_shape=jax.ShapeDtypeStruct((N, H), jnp.float32),
    )(w01, ya, yb)

    return out.reshape(B, S, H)

# --- scband reference (transcript-rebuilt; emitter-appended) ---
"""Pipeline reference for scband-sync-qwen3-vlmoe-sparse-moe-block-44418551775998 (READ-ONLY COPY).

The authoritative reference and input builder live on the scoring server;
editing this copy changes nothing except your own understanding.
"""

import jax, jax.numpy as jnp
import numpy as np

NUM_EXPERTS = 8
TOP_K = 2
HIDDEN = 1024
INTER = 768
NORM_TOPK = True


def setup_inputs(seed: int = 0) -> dict:
    key = jax.random.key(seed)
    k1, k2, k3, k4, k5 = jax.random.split(key, 5)
    hidden_states = jax.random.normal(k1, (1, 2048, HIDDEN), dtype=jnp.float32)
    # router gate: nn.Linear(hidden_size, num_experts, bias=False) -> weight [E, H]
    Wg = jax.random.normal(k2, (NUM_EXPERTS, HIDDEN), dtype=jnp.float32) * (1.0 / np.sqrt(HIDDEN))
    # per-expert SwiGLU MLP weights (torch Linear weight layout: [out, in])
    gate_w = jax.random.normal(k3, (NUM_EXPERTS, INTER, HIDDEN), dtype=jnp.float32) * (1.0 / np.sqrt(HIDDEN))
    up_w = jax.random.normal(k4, (NUM_EXPERTS, INTER, HIDDEN), dtype=jnp.float32) * (1.0 / np.sqrt(HIDDEN))
    down_w = jax.random.normal(k5, (NUM_EXPERTS, HIDDEN, INTER), dtype=jnp.float32) * (1.0 / np.sqrt(INTER))
    return {"hidden_states": hidden_states, "Wg": Wg, "gate_w": gate_w, "up_w": up_w, "down_w": down_w}


def reference(hidden_states, Wg, gate_w, up_w, down_w):
    B, S, H = hidden_states.shape
    x = hidden_states.reshape(-1, H)
    # router
    router_logits = x @ Wg.T  # [N, E]
    probs = jax.nn.softmax(router_logits.astype(jnp.float32), axis=-1)
    topv, topi = jax.lax.top_k(probs, TOP_K)  # [N, K]
    if NORM_TOPK:
        topv = topv / jnp.sum(topv, axis=-1, keepdims=True)
    # scatter top-k weights into dense [N, E] routing-weight mask
    weights = jnp.sum(jax.nn.one_hot(topi, NUM_EXPERTS, dtype=x.dtype) * topv[..., None].astype(x.dtype), axis=1)  # [N, E]
    # expert dispatch + combine (dense-equivalent of masked dispatch)
    out = jnp.zeros_like(x)
    for e in range(NUM_EXPERTS):
        g = x @ gate_w[e].T
        u = x @ up_w[e].T
        h = jax.nn.silu(g) * u
        y = h @ down_w[e].T
        out = out + weights[:, e:e + 1] * y
    return out.reshape(B, S, H)

if __name__ == "__main__":
    import jax
    _d = setup_inputs()
    print(jax.jit(kernel)(*tuple(_d.values())))

</pallas_src>

<mosaic_0001>
#map = affine_map<(d0, d1) -> (0, 0, 0)>
#map1 = affine_map<(d0, d1) -> (0, 0)>
module attributes {stable_mosaic.version = 14 : i64} {
  func.func @_sc_dispatch_gather(%arg0: i32, %arg1: i32, %arg2: memref<32x4x32xi32, #tpu.memory_space<hbm>>, %arg3: memref<2048x1024xf32, #tpu.memory_space<hbm>>, %arg4: memref<7168x1024xf32, #tpu.memory_space<hbm>>, %arg5: memref<4x32xi32, #tpu.memory_space<vmem>>, %arg6: memref<32x1024xf32, #tpu.memory_space<vmem>>, %arg7: memref<32x1024xf32, #tpu.memory_space<vmem>>, %arg8: memref<32x1024xf32, #tpu.memory_space<vmem>>, %arg9: memref<!tpu.dma_semaphore, #tpu.memory_space<semaphore_mem>>, %arg10: memref<!tpu.dma_semaphore, #tpu.memory_space<semaphore_mem>>) attributes {dimension_semantics = [#tpu.dimension_semantics<core_parallel>, #tpu.dimension_semantics<subcore_parallel>], iteration_bounds = array<i64: 2, 16>, scalar_prefetch = 0 : i64, scratch_operands = 6 : i64, tpu.core_type = #tpu.core_type<sc_vector_subcore>, window_params = [{transform_indices = #map}, {transform_indices = #map1}, {transform_indices = #map1}]} {
    %mul3A = arith.constant 16 : i32
    %mul3A_0 = arith.muli %arg0, %mul3A : i32
    %add3A = arith.addi %mul3A_0, %arg1 : i32
    %mul3A_1 = arith.constant 128 : i32
    %mul3A_2 = arith.muli %add3A, %mul3A_1 : i32
    %rem3A = arith.constant 2048 : i32
    %rem3A_3 = arith.remsi %mul3A_2, %rem3A : i32
    "tpu.region"() ({
      %run_scoped3A = tpu.sem_alloc : memref<!tpu.dma_semaphore, #tpu.memory_space<semaphore_mem>>
      %dma_start3A_98 = arith.constant 0 : i32
      %dma_start3A_99 = arith.constant 0 : i32
      %dma_start3A_100 = tpu.memref_slice %arg2[%add3A, %dma_start3A_98, %dma_start3A_99] : memref<32x4x32xi32, #tpu.memory_space<hbm>> -> memref<1x4x32xi32, #tpu.memory_space<hbm>>
      %dma_start3A_101 = tpu.memref_squeeze %dma_start3A_100 : memref<1x4x32xi32, #tpu.memory_space<hbm>> -> memref<4x32xi32, #tpu.memory_space<hbm>>
      %dma_start3A_102 = arith.constant 0 : i32
      %dma_start3A_103 = arith.constant 0 : i32
      %dma_start3A_104 = tpu.memref_slice %arg2[%add3A, %dma_start3A_102, %dma_start3A_103] : memref<32x4x32xi32, #tpu.memory_space<hbm>> -> memref<1x4x32xi32, #tpu.memory_space<hbm>>
      %dma_start3A_105 = tpu.memref_squeeze %dma_start3A_104 : memref<1x4x32xi32, #tpu.memory_space<hbm>> -> memref<4x32xi32, #tpu.memory_space<hbm>>
      tpu.enqueue_dma source(%dma_start3A_105 : memref<4x32xi32, #tpu.memory_space<hbm>>) target(%arg5 : memref<4x32xi32, #tpu.memory_space<vmem>>) target_semaphore(%run_scoped3A : memref<!tpu.dma_semaphore, #tpu.memory_space<semaphore_mem>>)
      %dma_wait3A_106 = arith.constant 0 : i32
      %dma_wait3A_107 = arith.constant 0 : i32
      %dma_wait3A_108 = tpu.memref_slice %arg2[%add3A, %dma_wait3A_106, %dma_wait3A_107] : memref<32x4x32xi32, #tpu.memory_space<hbm>> -> memref<1x4x32xi32, #tpu.memory_space<hbm>>
      %dma_wait3A_109 = tpu.memref_squeeze %dma_wait3A_108 : memref<1x4x32xi32, #tpu.memory_space<hbm>> -> memref<4x32xi32, #tpu.memory_space<hbm>>
      %dma_wait3A_110 = arith.constant 0 : i32
      %dma_wait3A_111 = arith.constant 0 : i32
      %dma_wait3A_112 = tpu.memref_slice %arg2[%add3A, %dma_wait3A_110, %dma_wait3A_111] : memref<32x4x32xi32, #tpu.memory_space<hbm>> -> memref<1x4x32xi32, #tpu.memory_space<hbm>>
      %dma_wait3A_113 = tpu.memref_squeeze %dma_wait3A_112 : memref<1x4x32xi32, #tpu.memory_space<hbm>> -> memref<4x32xi32, #tpu.memory_space<hbm>>
      tpu.wait_dma2 semaphore(%run_scoped3A : memref<!tpu.dma_semaphore, #tpu.memory_space<semaphore_mem>>) src(%dma_wait3A_113 : memref<4x32xi32, #tpu.memory_space<hbm>>) dst(%arg5 : memref<4x32xi32, #tpu.memory_space<vmem>>)
      tpu.yield
    }) : () -> ()
    %add3A_4 = arith.constant 0 : i32
    %add3A_5 = arith.addi %rem3A_3, %add3A_4 : i32
    %dma_start3A = arith.constant 0 : i32
    %dma_start3A_6 = tpu.memref_slice %arg3[%add3A_5, %dma_start3A] : memref<2048x1024xf32, #tpu.memory_space<hbm>> -> memref<32x1024xf32, #tpu.memory_space<hbm>>
    %dma_start3A_7 = arith.constant 0 : i32
    %dma_start3A_8 = tpu.memref_slice %arg3[%add3A_5, %dma_start3A_7] : memref<2048x1024xf32, #tpu.memory_space<hbm>> -> memref<32x1024xf32, #tpu.memory_space<hbm>>
    tpu.enqueue_dma source(%dma_start3A_8 : memref<32x1024xf32, #tpu.memory_space<hbm>>) target(%arg6 : memref<32x1024xf32, #tpu.memory_space<vmem>>) target_semaphore(%arg9 : memref<!tpu.dma_semaphore, #tpu.memory_space<semaphore_mem>>)
    %add3A_9 = arith.constant 32 : i32
    %add3A_10 = arith.addi %rem3A_3, %add3A_9 : i32
    %dma_start3A_11 = arith.constant 0 : i32
    %dma_start3A_12 = tpu.memref_slice %arg3[%add3A_10, %dma_start3A_11] : memref<2048x1024xf32, #tpu.memory_space<hbm>> -> memref<32x1024xf32, #tpu.memory_space<hbm>>
    %dma_start3A_13 = arith.constant 0 : i32
    %dma_start3A_14 = tpu.memref_slice %arg3[%add3A_10, %dma_start3A_13] : memref<2048x1024xf32, #tpu.memory_space<hbm>> -> memref<32x1024xf32, #tpu.memory_space<hbm>>
    tpu.enqueue_dma source(%dma_start3A_14 : memref<32x1024xf32, #tpu.memory_space<hbm>>) target(%arg7 : memref<32x1024xf32, #tpu.memory_space<vmem>>) target_semaphore(%arg9 : memref<!tpu.dma_semaphore, #tpu.memory_space<semaphore_mem>>)
    %dma_wait3A = arith.constant 0 : i32
    %dma_wait3A_15 = tpu.memref_slice %arg3[%add3A_5, %dma_wait3A] : memref<2048x1024xf32, #tpu.memory_space<hbm>> -> memref<32x1024xf32, #tpu.memory_space<hbm>>
    %dma_wait3A_16 = arith.constant 0 : i32
    %dma_wait3A_17 = tpu.memref_slice %arg3[%add3A_5, %dma_wait3A_16] : memref<2048x1024xf32, #tpu.memory_space<hbm>> -> memref<32x1024xf32, #tpu.memory_space<hbm>>
    tpu.wait_dma2 semaphore(%arg9 : memref<!tpu.dma_semaphore, #tpu.memory_space<semaphore_mem>>) src(%dma_wait3A_17 : memref<32x1024xf32, #tpu.memory_space<hbm>>) dst(%arg6 : memref<32x1024xf32, #tpu.memory_space<vmem>>)
    %dma_start3A_18 = arith.constant 0 : i32
    %dma_start3A_19 = arith.constant 0 : i32
    %dma_start3A_20 = tpu.memref_slice %arg5[%dma_start3A_18, %dma_start3A_19] : memref<4x32xi32, #tpu.memory_space<vmem>> -> memref<1x32xi32, #tpu.memory_space<vmem>>
    %dma_start3A_21 = tpu.memref_squeeze %dma_start3A_20 : memref<1x32xi32, #tpu.memory_space<vmem>> -> memref<32xi32, #tpu.memory_space<vmem>>
    %dma_start3A_22 = arith.constant 0 : i32
    %dma_start3A_23 = arith.constant 0 : i32
    %dma_start3A_24 = tpu.memref_slice %arg4[%dma_start3A_22, %dma_start3A_23] : memref<7168x1024xf32, #tpu.memory_space<hbm>> -> memref<7168x1024xf32, #tpu.memory_space<hbm>>
    tpu.enqueue_indirect_dma source(%arg6 : memref<32x1024xf32, #tpu.memory_space<vmem>>) target(%dma_start3A_24 : memref<7168x1024xf32, #tpu.memory_space<hbm>>) offsets(%dma_start3A_21 : memref<32xi32, #tpu.memory_space<vmem>>) semaphore(%arg10 : memref<!tpu.dma_semaphore, #tpu.memory_space<semaphore_mem>>)
    %add3A_25 = arith.constant 64 : i32
    %add3A_26 = arith.addi %rem3A_3, %add3A_25 : i32
    %dma_start3A_27 = arith.constant 0 : i32
    %dma_start3A_28 = tpu.memref_slice %arg3[%add3A_26, %dma_start3A_27] : memref<2048x1024xf32, #tpu.memory_space<hbm>> -> memref<32x1024xf32, #tpu.memory_space<hbm>>
    %dma_start3A_29 = arith.constant 0 : i32
    %dma_start3A_30 = tpu.memref_slice %arg3[%add3A_26, %dma_start3A_29] : memref<2048x1024xf32, #tpu.memory_space<hbm>> -> memref<32x1024xf32, #tpu.memory_space<hbm>>
    tpu.enqueue_dma source(%dma_start3A_30 : memref<32x1024xf32, #tpu.memory_space<hbm>>) target(%arg8 : memref<32x1024xf32, #tpu.memory_space<vmem>>) target_semaphore(%arg9 : memref<!tpu.dma_semaphore, #tpu.memory_space<semaphore_mem>>)
    %dma_wait3A_31 = arith.constant 0 : i32
    %dma_wait3A_32 = tpu.memref_slice %arg3[%add3A_10, %dma_wait3A_31] : memref<2048x1024xf32, #tpu.memory_space<hbm>> -> memref<32x1024xf32, #tpu.memory_space<hbm>>
    %dma_wait3A_33 = arith.constant 0 : i32
    %dma_wait3A_34 = tpu.memref_slice %arg3[%add3A_10, %dma_wait3A_33] : memref<2048x1024xf32, #tpu.memory_space<hbm>> -> memref<32x1024xf32, #tpu.memory_space<hbm>>
    tpu.wait_dma2 semaphore(%arg9 : memref<!tpu.dma_semaphore, #tpu.memory_space<semaphore_mem>>) src(%dma_wait3A_34 : memref<32x1024xf32, #tpu.memory_space<hbm>>) dst(%arg7 : memref<32x1024xf32, #tpu.memory_space<vmem>>)
    %dma_start3A_35 = arith.constant 1 : i32
    %dma_start3A_36 = arith.constant 0 : i32
    %dma_start3A_37 = tpu.memref_slice %arg5[%dma_start3A_35, %dma_start3A_36] : memref<4x32xi32, #tpu.memory_space<vmem>> -> memref<1x32xi32, #tpu.memory_space<vmem>>
    %dma_start3A_38 = tpu.memref_squeeze %dma_start3A_37 : memref<1x32xi32, #tpu.memory_space<vmem>> -> memref<32xi32, #tpu.memory_space<vmem>>
    %dma_start3A_39 = arith.constant 0 : i32
    %dma_start3A_40 = arith.constant 0 : i32
    %dma_start3A_41 = tpu.memref_slice %arg4[%dma_start3A_39, %dma_start3A_40] : memref<7168x1024xf32, #tpu.memory_space<hbm>> -> memref<7168x1024xf32, #tpu.memory_space<hbm>>
    tpu.enqueue_indirect_dma source(%arg7 : memref<32x1024xf32, #tpu.memory_space<vmem>>) target(%dma_start3A_41 : memref<7168x1024xf32, #tpu.memory_space<hbm>>) offsets(%dma_start3A_38 : memref<32xi32, #tpu.memory_space<vmem>>) semaphore(%arg10 : memref<!tpu.dma_semaphore, #tpu.memory_space<semaphore_mem>>)
    %dma_wait3A_42 = arith.constant 0 : i32
    %dma_wait3A_43 = arith.constant 0 : i32
    %dma_wait3A_44 = tpu.memref_slice %arg5[%dma_wait3A_42, %dma_wait3A_43] : memref<4x32xi32, #tpu.memory_space<vmem>> -> memref<1x32xi32, #tpu.memory_space<vmem>>
    %dma_wait3A_45 = tpu.memref_squeeze %dma_wait3A_44 : memref<1x32xi32, #tpu.memory_space<vmem>> -> memref<32xi32, #tpu.memory_space<vmem>>
    %dma_wait3A_46 = arith.constant 0 : i32
    %dma_wait3A_47 = arith.constant 0 : i32
    %dma_wait3A_48 = tpu.memref_slice %arg4[%dma_wait3A_46, %dma_wait3A_47] : memref<7168x1024xf32, #tpu.memory_space<hbm>> -> memref<7168x1024xf32, #tpu.memory_space<hbm>>
    tpu.wait_indirect_dma semaphore(%arg10 : memref<!tpu.dma_semaphore, #tpu.memory_space<semaphore_mem>>) src(%arg6 : memref<32x1024xf32, #tpu.memory_space<vmem>>) dst(%dma_wait3A_48 : memref<7168x1024xf32, #tpu.memory_space<hbm>>)
    %add3A_49 = arith.constant 96 : i32
    %add3A_50 = arith.addi %rem3A_3, %add3A_49 : i32
    %dma_start3A_51 = arith.constant 0 : i32
    %dma_start3A_52 = tpu.memref_slice %arg3[%add3A_50, %dma_start3A_51] : memref<2048x1024xf32, #tpu.memory_space<hbm>> -> memref<32x1024xf32, #tpu.memory_space<hbm>>
    %dma_start3A_53 = arith.constant 0 : i32
    %dma_start3A_54 = tpu.memref_slice %arg3[%add3A_50, %dma_start3A_53] : memref<2048x1024xf32, #tpu.memory_space<hbm>> -> memref<32x1024xf32, #tpu.memory_space<hbm>>
    tpu.enqueue_dma source(%dma_start3A_54 : memref<32x1024xf32, #tpu.memory_space<hbm>>) target(%arg6 : memref<32x1024xf32, #tpu.memory_space<vmem>>) target_semaphore(%arg9 : memref<!tpu.dma_semaphore, #tpu.memory_space<semaphore_mem>>)
    %dma_wait3A_55 = arith.constant 0 : i32
    %dma_wait3A_56 = tpu.memref_slice %arg3[%add3A_26, %dma_wait3A_55] : memref<2048x1024xf32, #tpu.memory_space<hbm>> -> memref<32x1024xf32, #tpu.memory_space<hbm>>
    %dma_wait3A_57 = arith.constant 0 : i32
    %dma_wait3A_58 = tpu.memref_slice %arg3[%add3A_26, %dma_wait3A_57] : memref<2048x1024xf32, #tpu.memory_space<hbm>> -> memref<32x1024xf32, #tpu.memory_space<hbm>>
    tpu.wait_dma2 semaphore(%arg9 : memref<!tpu.dma_semaphore, #tpu.memory_space<semaphore_mem>>) src(%dma_wait3A_58 : memref<32x1024xf32, #tpu.memory_space<hbm>>) dst(%arg8 : memref<32x1024xf32, #tpu.memory_space<vmem>>)
    %dma_start3A_59 = arith.constant 2 : i32
    %dma_start3A_60 = arith.constant 0 : i32
    %dma_start3A_61 = tpu.memref_slice %arg5[%dma_start3A_59, %dma_start3A_60] : memref<4x32xi32, #tpu.memory_space<vmem>> -> memref<1x32xi32, #tpu.memory_space<vmem>>
    %dma_start3A_62 = tpu.memref_squeeze %dma_start3A_61 : memref<1x32xi32, #tpu.memory_space<vmem>> -> memref<32xi32, #tpu.memory_space<vmem>>
    %dma_start3A_63 = arith.constant 0 : i32
    %dma_start3A_64 = arith.constant 0 : i32
    %dma_start3A_65 = tpu.memref_slice %arg4[%dma_start3A_63, %dma_start3A_64] : memref<7168x1024xf32, #tpu.memory_space<hbm>> -> memref<7168x1024xf32, #tpu.memory_space<hbm>>
    tpu.enqueue_indirect_dma source(%arg8 : memref<32x1024xf32, #tpu.memory_space<vmem>>) target(%dma_start3A_65 : memref<7168x1024xf32, #tpu.memory_space<hbm>>) offsets(%dma_start3A_62 : memref<32xi32, #tpu.memory_space<vmem>>) semaphore(%arg10 : memref<!tpu.dma_semaphore, #tpu.memory_space<semaphore_mem>>)
    %dma_wait3A_66 = arith.constant 0 : i32
    %dma_wait3A_67 = tpu.memref_slice %arg3[%add3A_50, %dma_wait3A_66] : memref<2048x1024xf32, #tpu.memory_space<hbm>> -> memref<32x1024xf32, #tpu.memory_space<hbm>>
    %dma_wait3A_68 = arith.constant 0 : i32
    %dma_wait3A_69 = tpu.memref_slice %arg3[%add3A_50, %dma_wait3A_68] : memref<2048x1024xf32, #tpu.memory_space<hbm>> -> memref<32x1024xf32, #tpu.memory_space<hbm>>
    tpu.wait_dma2 semaphore(%arg9 : memref<!tpu.dma_semaphore, #tpu.memory_space<semaphore_mem>>) src(%dma_wait3A_69 : memref<32x1024xf32, #tpu.memory_space<hbm>>) dst(%arg6 : memref<32x1024xf32, #tpu.memory_space<vmem>>)
    %dma_start3A_70 = arith.constant 3 : i32
    %dma_start3A_71 = arith.constant 0 : i32
    %dma_start3A_72 = tpu.memref_slice %arg5[%dma_start3A_70, %dma_start3A_71] : memref<4x32xi32, #tpu.memory_space<vmem>> -> memref<1x32xi32, #tpu.memory_space<vmem>>
    %dma_start3A_73 = tpu.memref_squeeze %dma_start3A_72 : memref<1x32xi32, #tpu.memory_space<vmem>> -> memref<32xi32, #tpu.memory_space<vmem>>
    %dma_start3A_74 = arith.constant 0 : i32
    %dma_start3A_75 = arith.constant 0 : i32
    %dma_start3A_76 = tpu.memref_slice %arg4[%dma_start3A_74, %dma_start3A_75] : memref<7168x1024xf32, #tpu.memory_space<hbm>> -> memref<7168x1024xf32, #tpu.memory_space<hbm>>
    tpu.enqueue_indirect_dma source(%arg6 : memref<32x1024xf32, #tpu.memory_space<vmem>>) target(%dma_start3A_76 : memref<7168x1024xf32, #tpu.memory_space<hbm>>) offsets(%dma_start3A_73 : memref<32xi32, #tpu.memory_space<vmem>>) semaphore(%arg10 : memref<!tpu.dma_semaphore, #tpu.memory_space<semaphore_mem>>)
    %dma_wait3A_77 = arith.constant 1 : i32
    %dma_wait3A_78 = arith.constant 0 : i32
    %dma_wait3A_79 = tpu.memref_slice %arg5[%dma_wait3A_77, %dma_wait3A_78] : memref<4x32xi32, #tpu.memory_space<vmem>> -> memref<1x32xi32, #tpu.memory_space<vmem>>
    %dma_wait3A_80 = tpu.memref_squeeze %dma_wait3A_79 : memref<1x32xi32, #tpu.memory_space<vmem>> -> memref<32xi32, #tpu.memory_space<vmem>>
    %dma_wait3A_81 = arith.constant 0 : i32
    %dma_wait3A_82 = arith.constant 0 : i32
    %dma_wait3A_83 = tpu.memref_slice %arg4[%dma_wait3A_81, %dma_wait3A_82] : memref<7168x1024xf32, #tpu.memory_space<hbm>> -> memref<7168x1024xf32, #tpu.memory_space<hbm>>
    tpu.wait_indirect_dma semaphore(%arg10 : memref<!tpu.dma_semaphore, #tpu.memory_space<semaphore_mem>>) src(%arg7 : memref<32x1024xf32, #tpu.memory_space<vmem>>) dst(%dma_wait3A_83 : memref<7168x1024xf32, #tpu.memory_space<hbm>>)
    %dma_wait3A_84 = arith.constant 2 : i32
    %dma_wait3A_85 = arith.constant 0 : i32
    %dma_wait3A_86 = tpu.memref_slice %arg5[%dma_wait3A_84, %dma_wait3A_85] : memref<4x32xi32, #tpu.memory_space<vmem>> -> memref<1x32xi32, #tpu.memory_space<vmem>>
    %dma_wait3A_87 = tpu.memref_squeeze %dma_wait3A_86 : memref<1x32xi32, #tpu.memory_space<vmem>> -> memref<32xi32, #tpu.memory_space<vmem>>
    %dma_wait3A_88 = arith.constant 0 : i32
    %dma_wait3A_89 = arith.constant 0 : i32
    %dma_wait3A_90 = tpu.memref_slice %arg4[%dma_wait3A_88, %dma_wait3A_89] : memref<7168x1024xf32, #tpu.memory_space<hbm>> -> memref<7168x1024xf32, #tpu.memory_space<hbm>>
    tpu.wait_indirect_dma semaphore(%arg10 : memref<!tpu.dma_semaphore, #tpu.memory_space<semaphore_mem>>) src(%arg8 : memref<32x1024xf32, #tpu.memory_space<vmem>>) dst(%dma_wait3A_90 : memref<7168x1024xf32, #tpu.memory_space<hbm>>)
    %dma_wait3A_91 = arith.constant 3 : i32
    %dma_wait3A_92 = arith.constant 0 : i32
    %dma_wait3A_93 = tpu.memref_slice %arg5[%dma_wait3A_91, %dma_wait3A_92] : memref<4x32xi32, #tpu.memory_space<vmem>> -> memref<1x32xi32, #tpu.memory_space<vmem>>
    %dma_wait3A_94 = tpu.memref_squeeze %dma_wait3A_93 : memref<1x32xi32, #tpu.memory_space<vmem>> -> memref<32xi32, #tpu.memory_space<vmem>>
    %dma_wait3A_95 = arith.constant 0 : i32
    %dma_wait3A_96 = arith.constant 0 : i32
    %dma_wait3A_97 = tpu.memref_slice %arg4[%dma_wait3A_95, %dma_wait3A_96] : memref<7168x1024xf32, #tpu.memory_space<hbm>> -> memref<7168x1024xf32, #tpu.memory_space<hbm>>
    tpu.wait_indirect_dma semaphore(%arg10 : memref<!tpu.dma_semaphore, #tpu.memory_space<semaphore_mem>>) src(%arg6 : memref<32x1024xf32, #tpu.memory_space<vmem>>) dst(%dma_wait3A_97 : memref<7168x1024xf32, #tpu.memory_space<hbm>>)
    return
  }
}

#map = affine_map<(d0, d1) -> (0)>
#map1 = affine_map<(d0, d1) -> (0, 0)>
module attributes {stable_mosaic.version = 14 : i64} {
  func.func @_sc_combine(%arg0: i32, %arg1: i32, %arg2: memref<4096xi32, #tpu.memory_space<hbm>>, %arg3: memref<7168x1024xf32, #tpu.memory_space<hbm>>, %arg4: memref<2048x1024xf32, #tpu.memory_space<hbm>>, %arg5: memref<2048x1024xf32, #tpu.memory_space<hbm>>, %arg6: memref<128xi32, #tpu.memory_space<vmem>>, %arg7: memref<32x1024xf32, #tpu.memory_space<vmem>>, %arg8: memref<32x1024xf32, #tpu.memory_space<vmem>>, %arg9: memref<32x1024xf32, #tpu.memory_space<vmem>>, %arg10: memref<!tpu.dma_semaphore, #tpu.memory_space<semaphore_mem>>, %arg11: memref<!tpu.dma_semaphore, #tpu.memory_space<semaphore_mem>>) attributes {dimension_semantics = [#tpu.dimension_semantics<core_parallel>, #tpu.dimension_semantics<subcore_parallel>], iteration_bounds = array<i64: 2, 16>, scalar_prefetch = 0 : i64, scratch_operands = 6 : i64, tpu.core_type = #tpu.core_type<sc_vector_subcore>, window_params = [{transform_indices = #map}, {transform_indices = #map1}, {transform_indices = #map1}, {transform_indices = #map1}]} {
    %mul3A = arith.constant 16 : i32
    %mul3A_0 = arith.muli %arg0, %mul3A : i32
    %add3A = arith.addi %mul3A_0, %arg1 : i32
    %mul3A_1 = arith.constant 64 : i32
    %mul3A_2 = arith.muli %add3A, %mul3A_1 : i32
    "tpu.region"() ({
      %run_scoped3A = tpu.sem_alloc : memref<!tpu.dma_semaphore, #tpu.memory_space<semaphore_mem>>
      %dma_start3A_79 = arith.constant 0 : i32
      %dma_start3A_80 = tpu.memref_slice %arg6[%dma_start3A_79] : memref<128xi32, #tpu.memory_space<vmem>> -> memref<64xi32, #tpu.memory_space<vmem>>
      %dma_start3A_81 = tpu.memref_slice %arg2[%mul3A_2] : memref<4096xi32, #tpu.memory_space<hbm>> -> memref<64xi32, #tpu.memory_space<hbm>>
      %dma_start3A_82 = arith.constant 0 : i32
      %dma_start3A_83 = tpu.memref_slice %arg6[%dma_start3A_82] : memref<128xi32, #tpu.memory_space<vmem>> -> memref<64xi32, #tpu.memory_space<vmem>>
      %dma_start3A_84 = tpu.memref_slice %arg2[%mul3A_2] : memref<4096xi32, #tpu.memory_space<hbm>> -> memref<64xi32, #tpu.memory_space<hbm>>
      tpu.enqueue_dma source(%dma_start3A_84 : memref<64xi32, #tpu.memory_space<hbm>>) target(%dma_start3A_83 : memref<64xi32, #tpu.memory_space<vmem>>) target_semaphore(%run_scoped3A : memref<!tpu.dma_semaphore, #tpu.memory_space<semaphore_mem>>)
      %dma_wait3A_85 = arith.constant 0 : i32
      %dma_wait3A_86 = tpu.memref_slice %arg6[%dma_wait3A_85] : memref<128xi32, #tpu.memory_space<vmem>> -> memref<64xi32, #tpu.memory_space<vmem>>
      %dma_wait3A_87 = tpu.memref_slice %arg2[%mul3A_2] : memref<4096xi32, #tpu.memory_space<hbm>> -> memref<64xi32, #tpu.memory_space<hbm>>
      %dma_wait3A_88 = arith.constant 0 : i32
      %dma_wait3A_89 = tpu.memref_slice %arg6[%dma_wait3A_88] : memref<128xi32, #tpu.memory_space<vmem>> -> memref<64xi32, #tpu.memory_space<vmem>>
      %dma_wait3A_90 = tpu.memref_slice %arg2[%mul3A_2] : memref<4096xi32, #tpu.memory_space<hbm>> -> memref<64xi32, #tpu.memory_space<hbm>>
      tpu.wait_dma2 semaphore(%run_scoped3A : memref<!tpu.dma_semaphore, #tpu.memory_space<semaphore_mem>>) src(%dma_wait3A_90 : memref<64xi32, #tpu.memory_space<hbm>>) dst(%dma_wait3A_89 : memref<64xi32, #tpu.memory_space<vmem>>)
      tpu.yield
    }) : () -> ()
    %add3A_3 = arith.constant 2048 : i32
    %add3A_4 = arith.addi %add3A_3, %mul3A_2 : i32
    "tpu.region"() ({
      %run_scoped3A = tpu.sem_alloc : memref<!tpu.dma_semaphore, #tpu.memory_space<semaphore_mem>>
      %dma_start3A_79 = arith.constant 64 : i32
      %dma_start3A_80 = tpu.memref_slice %arg6[%dma_start3A_79] : memref<128xi32, #tpu.memory_space<vmem>> -> memref<64xi32, #tpu.memory_space<vmem>>
      %dma_start3A_81 = tpu.memref_slice %arg2[%add3A_4] : memref<4096xi32, #tpu.memory_space<hbm>> -> memref<64xi32, #tpu.memory_space<hbm>>
      %dma_start3A_82 = arith.constant 64 : i32
      %dma_start3A_83 = tpu.memref_slice %arg6[%dma_start3A_82] : memref<128xi32, #tpu.memory_space<vmem>> -> memref<64xi32, #tpu.memory_space<vmem>>
      %dma_start3A_84 = tpu.memref_slice %arg2[%add3A_4] : memref<4096xi32, #tpu.memory_space<hbm>> -> memref<64xi32, #tpu.memory_space<hbm>>
      tpu.enqueue_dma source(%dma_start3A_84 : memref<64xi32, #tpu.memory_space<hbm>>) target(%dma_start3A_83 : memref<64xi32, #tpu.memory_space<vmem>>) target_semaphore(%run_scoped3A : memref<!tpu.dma_semaphore, #tpu.memory_space<semaphore_mem>>)
      %dma_wait3A_85 = arith.constant 64 : i32
      %dma_wait3A_86 = tpu.memref_slice %arg6[%dma_wait3A_85] : memref<128xi32, #tpu.memory_space<vmem>> -> memref<64xi32, #tpu.memory_space<vmem>>
      %dma_wait3A_87 = tpu.memref_slice %arg2[%add3A_4] : memref<4096xi32, #tpu.memory_space<hbm>> -> memref<64xi32, #tpu.memory_space<hbm>>
      %dma_wait3A_88 = arith.constant 64 : i32
      %dma_wait3A_89 = tpu.memref_slice %arg6[%dma_wait3A_88] : memref<128xi32, #tpu.memory_space<vmem>> -> memref<64xi32, #tpu.memory_space<vmem>>
      %dma_wait3A_90 = tpu.memref_slice %arg2[%add3A_4] : memref<4096xi32, #tpu.memory_space<hbm>> -> memref<64xi32, #tpu.memory_space<hbm>>
      tpu.wait_dma2 semaphore(%run_scoped3A : memref<!tpu.dma_semaphore, #tpu.memory_space<semaphore_mem>>) src(%dma_wait3A_90 : memref<64xi32, #tpu.memory_space<hbm>>) dst(%dma_wait3A_89 : memref<64xi32, #tpu.memory_space<vmem>>)
      tpu.yield
    }) : () -> ()
    %add3A_5 = arith.constant 32 : i32
    %add3A_6 = arith.addi %mul3A_2, %add3A_5 : i32
    %add3A_7 = arith.constant 32 : i32
    %add3A_8 = arith.addi %mul3A_2, %add3A_7 : i32
    %dma_start3A = arith.constant 0 : i32
    %dma_start3A_9 = tpu.memref_slice %arg6[%dma_start3A] : memref<128xi32, #tpu.memory_space<vmem>> -> memref<32xi32, #tpu.memory_space<vmem>>
    %dma_start3A_10 = arith.constant 0 : i32
    %dma_start3A_11 = arith.constant 0 : i32
    %dma_start3A_12 = tpu.memref_slice %arg3[%dma_start3A_10, %dma_start3A_11] : memref<7168x1024xf32, #tpu.memory_space<hbm>> -> memref<7168x1024xf32, #tpu.memory_space<hbm>>
    tpu.enqueue_indirect_dma source(%dma_start3A_12 : memref<7168x1024xf32, #tpu.memory_space<hbm>>) target(%arg7 : memref<32x1024xf32, #tpu.memory_space<vmem>>) offsets(%dma_start3A_9 : memref<32xi32, #tpu.memory_space<vmem>>) semaphore(%arg10 : memref<!tpu.dma_semaphore, #tpu.memory_space<semaphore_mem>>)
    %dma_start3A_13 = arith.constant 32 : i32
    %dma_start3A_14 = tpu.memref_slice %arg6[%dma_start3A_13] : memref<128xi32, #tpu.memory_space<vmem>> -> memref<32xi32, #tpu.memory_space<vmem>>
    %dma_start3A_15 = arith.constant 0 : i32
    %dma_start3A_16 = arith.constant 0 : i32
    %dma_start3A_17 = tpu.memref_slice %arg3[%dma_start3A_15, %dma_start3A_16] : memref<7168x1024xf32, #tpu.memory_space<hbm>> -> memref<7168x1024xf32, #tpu.memory_space<hbm>>
    tpu.enqueue_indirect_dma source(%dma_start3A_17 : memref<7168x1024xf32, #tpu.memory_space<hbm>>) target(%arg8 : memref<32x1024xf32, #tpu.memory_space<vmem>>) offsets(%dma_start3A_14 : memref<32xi32, #tpu.memory_space<vmem>>) semaphore(%arg10 : memref<!tpu.dma_semaphore, #tpu.memory_space<semaphore_mem>>)
    %dma_wait3A = arith.constant 0 : i32
    %dma_wait3A_18 = tpu.memref_slice %arg6[%dma_wait3A] : memref<128xi32, #tpu.memory_space<vmem>> -> memref<32xi32, #tpu.memory_space<vmem>>
    %dma_wait3A_19 = arith.constant 0 : i32
    %dma_wait3A_20 = arith.constant 0 : i32
    %dma_wait3A_21 = tpu.memref_slice %arg3[%dma_wait3A_19, %dma_wait3A_20] : memref<7168x1024xf32, #tpu.memory_space<hbm>> -> memref<7168x1024xf32, #tpu.memory_space<hbm>>
    tpu.wait_indirect_dma semaphore(%arg10 : memref<!tpu.dma_semaphore, #tpu.memory_space<semaphore_mem>>) src(%dma_wait3A_21 : memref<7168x1024xf32, #tpu.memory_space<hbm>>) dst(%arg7 : memref<32x1024xf32, #tpu.memory_space<vmem>>)
    %dma_start3A_22 = arith.constant 0 : i32
    %dma_start3A_23 = tpu.memref_slice %arg4[%mul3A_2, %dma_start3A_22] : memref<2048x1024xf32, #tpu.memory_space<hbm>> -> memref<32x1024xf32, #tpu.memory_space<hbm>>
    %dma_start3A_24 = arith.constant 0 : i32
    %dma_start3A_25 = tpu.memref_slice %arg4[%mul3A_2, %dma_start3A_24] : memref<2048x1024xf32, #tpu.memory_space<hbm>> -> memref<32x1024xf32, #tpu.memory_space<hbm>>
    tpu.enqueue_dma source(%arg7 : memref<32x1024xf32, #tpu.memory_space<vmem>>) target(%dma_start3A_25 : memref<32x1024xf32, #tpu.memory_space<hbm>>) target_semaphore(%arg11 : memref<!tpu.dma_semaphore, #tpu.memory_space<semaphore_mem>>)
    %dma_start3A_26 = arith.constant 64 : i32
    %dma_start3A_27 = tpu.memref_slice %arg6[%dma_start3A_26] : memref<128xi32, #tpu.memory_space<vmem>> -> memref<32xi32, #tpu.memory_space<vmem>>
    %dma_start3A_28 = arith.constant 0 : i32
    %dma_start3A_29 = arith.constant 0 : i32
    %dma_start3A_30 = tpu.memref_slice %arg3[%dma_start3A_28, %dma_start3A_29] : memref<7168x1024xf32, #tpu.memory_space<hbm>> -> memref<7168x1024xf32, #tpu.memory_space<hbm>>
    tpu.enqueue_indirect_dma source(%dma_start3A_30 : memref<7168x1024xf32, #tpu.memory_space<hbm>>) target(%arg9 : memref<32x1024xf32, #tpu.memory_space<vmem>>) offsets(%dma_start3A_27 : memref<32xi32, #tpu.memory_space<vmem>>) semaphore(%arg10 : memref<!tpu.dma_semaphore, #tpu.memory_space<semaphore_mem>>)
    %dma_wait3A_31 = arith.constant 32 : i32
    %dma_wait3A_32 = tpu.memref_slice %arg6[%dma_wait3A_31] : memref<128xi32, #tpu.memory_space<vmem>> -> memref<32xi32, #tpu.memory_space<vmem>>
    %dma_wait3A_33 = arith.constant 0 : i32
    %dma_wait3A_34 = arith.constant 0 : i32
    %dma_wait3A_35 = tpu.memref_slice %arg3[%dma_wait3A_33, %dma_wait3A_34] : memref<7168x1024xf32, #tpu.memory_space<hbm>> -> memref<7168x1024xf32, #tpu.memory_space<hbm>>
    tpu.wait_indirect_dma semaphore(%arg10 : memref<!tpu.dma_semaphore, #tpu.memory_space<semaphore_mem>>) src(%dma_wait3A_35 : memref<7168x1024xf32, #tpu.memory_space<hbm>>) dst(%arg8 : memref<32x1024xf32, #tpu.memory_space<vmem>>)
    %dma_start3A_36 = arith.constant 0 : i32
    %dma_start3A_37 = tpu.memref_slice %arg4[%add3A_6, %dma_start3A_36] : memref<2048x1024xf32, #tpu.memory_space<hbm>> -> memref<32x1024xf32, #tpu.memory_space<hbm>>
    %dma_start3A_38 = arith.constant 0 : i32
    %dma_start3A_39 = tpu.memref_slice %arg4[%add3A_6, %dma_start3A_38] : memref<2048x1024xf32, #tpu.memory_space<hbm>> -> memref<32x1024xf32, #tpu.memory_space<hbm>>
    tpu.enqueue_dma source(%arg8 : memref<32x1024xf32, #tpu.memory_space<vmem>>) target(%dma_start3A_39 : memref<32x1024xf32, #tpu.memory_space<hbm>>) target_semaphore(%arg11 : memref<!tpu.dma_semaphore, #tpu.memory_space<semaphore_mem>>)
    %dma_wait3A_40 = arith.constant 0 : i32
    %dma_wait3A_41 = tpu.memref_slice %arg4[%mul3A_2, %dma_wait3A_40] : memref<2048x1024xf32, #tpu.memory_space<hbm>> -> memref<32x1024xf32, #tpu.memory_space<hbm>>
    %dma_wait3A_42 = arith.constant 0 : i32
    %dma_wait3A_43 = tpu.memref_slice %arg4[%mul3A_2, %dma_wait3A_42] : memref<2048x1024xf32, #tpu.memory_space<hbm>> -> memref<32x1024xf32, #tpu.memory_space<hbm>>
    tpu.wait_dma2 semaphore(%arg11 : memref<!tpu.dma_semaphore, #tpu.memory_space<semaphore_mem>>) src(%arg7 : memref<32x1024xf32, #tpu.memory_space<vmem>>) dst(%dma_wait3A_43 : memref<32x1024xf32, #tpu.memory_space<hbm>>)
    %dma_start3A_44 = arith.constant 96 : i32
    %dma_start3A_45 = tpu.memref_slice %arg6[%dma_start3A_44] : memref<128xi32, #tpu.memory_space<vmem>> -> memref<32xi32, #tpu.memory_space<vmem>>
    %dma_start3A_46 = arith.constant 0 : i32
    %dma_start3A_47 = arith.constant 0 : i32
    %dma_start3A_48 = tpu.memref_slice %arg3[%dma_start3A_46, %dma_start3A_47] : memref<7168x1024xf32, #tpu.memory_space<hbm>> -> memref<7168x1024xf32, #tpu.memory_space<hbm>>
    tpu.enqueue_indirect_dma source(%dma_start3A_48 : memref<7168x1024xf32, #tpu.memory_space<hbm>>) target(%arg7 : memref<32x1024xf32, #tpu.memory_space<vmem>>) offsets(%dma_start3A_45 : memref<32xi32, #tpu.memory_space<vmem>>) semaphore(%arg10 : memref<!tpu.dma_semaphore, #tpu.memory_space<semaphore_mem>>)
    %dma_wait3A_49 = arith.constant 64 : i32
    %dma_wait3A_50 = tpu.memref_slice %arg6[%dma_wait3A_49] : memref<128xi32, #tpu.memory_space<vmem>> -> memref<32xi32, #tpu.memory_space<vmem>>
    %dma_wait3A_51 = arith.constant 0 : i32
    %dma_wait3A_52 = arith.constant 0 : i32
    %dma_wait3A_53 = tpu.memref_slice %arg3[%dma_wait3A_51, %dma_wait3A_52] : memref<7168x1024xf32, #tpu.memory_space<hbm>> -> memref<7168x1024xf32, #tpu.memory_space<hbm>>
    tpu.wait_indirect_dma semaphore(%arg10 : memref<!tpu.dma_semaphore, #tpu.memory_space<semaphore_mem>>) src(%dma_wait3A_53 : memref<7168x1024xf32, #tpu.memory_space<hbm>>) dst(%arg9 : memref<32x1024xf32, #tpu.memory_space<vmem>>)
    %dma_start3A_54 = arith.constant 0 : i32
    %dma_start3A_55 = tpu.memref_slice %arg5[%mul3A_2, %dma_start3A_54] : memref<2048x1024xf32, #tpu.memory_space<hbm>> -> memref<32x1024xf32, #tpu.memory_space<hbm>>
    %dma_start3A_56 = arith.constant 0 : i32
    %dma_start3A_57 = tpu.memref_slice %arg5[%mul3A_2, %dma_start3A_56] : memref<2048x1024xf32, #tpu.memory_space<hbm>> -> memref<32x1024xf32, #tpu.memory_space<hbm>>
    tpu.enqueue_dma source(%arg9 : memref<32x1024xf32, #tpu.memory_space<vmem>>) target(%dma_start3A_57 : memref<32x1024xf32, #tpu.memory_space<hbm>>) target_semaphore(%arg11 : memref<!tpu.dma_semaphore, #tpu.memory_space<semaphore_mem>>)
    %dma_wait3A_58 = arith.constant 96 : i32
    %dma_wait3A_59 = tpu.memref_slice %arg6[%dma_wait3A_58] : memref<128xi32, #tpu.memory_space<vmem>> -> memref<32xi32, #tpu.memory_space<vmem>>
    %dma_wait3A_60 = arith.constant 0 : i32
    %dma_wait3A_61 = arith.constant 0 : i32
    %dma_wait3A_62 = tpu.memref_slice %arg3[%dma_wait3A_60, %dma_wait3A_61] : memref<7168x1024xf32, #tpu.memory_space<hbm>> -> memref<7168x1024xf32, #tpu.memory_space<hbm>>
    tpu.wait_indirect_dma semaphore(%arg10 : memref<!tpu.dma_semaphore, #tpu.memory_space<semaphore_mem>>) src(%dma_wait3A_62 : memref<7168x1024xf32, #tpu.memory_space<hbm>>) dst(%arg7 : memref<32x1024xf32, #tpu.memory_space<vmem>>)
    %dma_start3A_63 = arith.constant 0 : i32
    %dma_start3A_64 = tpu.memref_slice %arg5[%add3A_8, %dma_start3A_63] : memref<2048x1024xf32, #tpu.memory_space<hbm>> -> memref<32x1024xf32, #tpu.memory_space<hbm>>
    %dma_start3A_65 = arith.constant 0 : i32
    %dma_start3A_66 = tpu.memref_slice %arg5[%add3A_8, %dma_start3A_65] : memref<2048x1024xf32, #tpu.memory_space<hbm>> -> memref<32x1024xf32, #tpu.memory_space<hbm>>
    tpu.enqueue_dma source(%arg7 : memref<32x1024xf32, #tpu.memory_space<vmem>>) target(%dma_start3A_66 : memref<32x1024xf32, #tpu.memory_space<hbm>>) target_semaphore(%arg11 : memref<!tpu.dma_semaphore, #tpu.memory_space<semaphore_mem>>)
    %dma_wait3A_67 = arith.constant 0 : i32
    %dma_wait3A_68 = tpu.memref_slice %arg4[%add3A_6, %dma_wait3A_67] : memref<2048x1024xf32, #tpu.memory_space<hbm>> -> memref<32x1024xf32, #tpu.memory_space<hbm>>
    %dma_wait3A_69 = arith.constant 0 : i32
    %dma_wait3A_70 = tpu.memref_slice %arg4[%add3A_6, %dma_wait3A_69] : memref<2048x1024xf32, #tpu.memory_space<hbm>> -> memref<32x1024xf32, #tpu.memory_space<hbm>>
    tpu.wait_dma2 semaphore(%arg11 : memref<!tpu.dma_semaphore, #tpu.memory_space<semaphore_mem>>) src(%arg8 : memref<32x1024xf32, #tpu.memory_space<vmem>>) dst(%dma_wait3A_70 : memref<32x1024xf32, #tpu.memory_space<hbm>>)
    %dma_wait3A_71 = arith.constant 0 : i32
    %dma_wait3A_72 = tpu.memref_slice %arg5[%mul3A_2, %dma_wait3A_71] : memref<2048x1024xf32, #tpu.memory_space<hbm>> -> memref<32x1024xf32, #tpu.memory_space<hbm>>
    %dma_wait3A_73 = arith.constant 0 : i32
    %dma_wait3A_74 = tpu.memref_slice %arg5[%mul3A_2, %dma_wait3A_73] : memref<2048x1024xf32, #tpu.memory_space<hbm>> -> memref<32x1024xf32, #tpu.memory_space<hbm>>
    tpu.wait_dma2 semaphore(%arg11 : memref<!tpu.dma_semaphore, #tpu.memory_space<semaphore_mem>>) src(%arg9 : memref<32x1024xf32, #tpu.memory_space<vmem>>) dst(%dma_wait3A_74 : memref<32x1024xf32, #tpu.memory_space<hbm>>)
    %dma_wait3A_75 = arith.constant 0 : i32
    %dma_wait3A_76 = tpu.memref_slice %arg5[%add3A_8, %dma_wait3A_75] : memref<2048x1024xf32, #tpu.memory_space<hbm>> -> memref<32x1024xf32, #tpu.memory_space<hbm>>
    %dma_wait3A_77 = arith.constant 0 : i32
    %dma_wait3A_78 = tpu.memref_slice %arg5[%add3A_8, %dma_wait3A_77] : memref<2048x1024xf32, #tpu.memory_space<hbm>> -> memref<32x1024xf32, #tpu.memory_space<hbm>>
    tpu.wait_dma2 semaphore(%arg11 : memref<!tpu.dma_semaphore, #tpu.memory_space<semaphore_mem>>) src(%arg7 : memref<32x1024xf32, #tpu.memory_space<vmem>>) dst(%dma_wait3A_78 : memref<32x1024xf32, #tpu.memory_space<hbm>>)
    return
  }
}

module attributes {stable_mosaic.version = 14 : i64} {
  func.func @_gemm_kernel(%arg0: i32, %arg1: memref<3x19xi32, #tpu.memory_space<smem>>, %arg2: memref<384x1024xf32, #tpu.memory_space<vmem>>, %arg3: memref<1x768x1024xf32, #tpu.memory_space<vmem>>, %arg4: memref<1x768x1024xf32, #tpu.memory_space<vmem>>, %arg5: memref<1x1024x768xf32, #tpu.memory_space<vmem>>, %arg6: memref<384x1024xf32, #tpu.memory_space<vmem>>) attributes {dimension_semantics = [#tpu.dimension_semantics<arbitrary>], iteration_bounds = array<i64: 19>, scalar_prefetch = 1 : i64, scratch_operands = 0 : i64, tpu.core_type = #tpu.core_type<tc>, window_params = [{transform_indices = @transform_0, window_bounds = array<i64: 384, 1024>}, {transform_indices = @transform_1, window_bounds = array<i64: 1, 768, 1024>}, {transform_indices = @transform_2, window_bounds = array<i64: 1, 768, 1024>}, {transform_indices = @transform_3, window_bounds = array<i64: 1, 1024, 768>}, {transform_indices = @transform_4, window_bounds = array<i64: 384, 1024>}]} {
    %get3A = arith.constant 2 : index
    %get3A_0 = arith.index_cast %arg0 : i32 to index
    %get3A_1 = memref.load %arg1[%get3A, %get3A_0] : memref<3x19xi32, #tpu.memory_space<smem>>
    %eq3A = arith.constant 1 : i32
    %eq3A_2 = arith.cmpi eq, %get3A_1, %eq3A : i32
    %convert_element_type3A = arith.extui %eq3A_2 : i1 to i32
    %cond3A = arith.constant 0 : i32
    %cond3A_3 = arith.cmpi ne, %convert_element_type3A, %cond3A : i32
    scf.if %cond3A_3 {
      %get3A_4 = arith.constant 0 : index
      %get3A_5 = arith.constant 0 : index
      %get3A_6 = vector.load %arg2[%get3A_4, %get3A_5] : memref<384x1024xf32, #tpu.memory_space<vmem>>, vector<384x1024xf32>
      %convert_element_type3A_7 = arith.truncf %get3A_6 : vector<384x1024xf32> to vector<384x1024xbf16>
      %get3A_8 = arith.constant 0 : index
      %get3A_9 = arith.constant 0 : index
      %get3A_10 = arith.constant 0 : index
      %get3A_11 = vector.load %arg3[%get3A_8, %get3A_9, %get3A_10] : memref<1x768x1024xf32, #tpu.memory_space<vmem>>, vector<1x768x1024xf32>
      %get3A_12 = vector.shape_cast %get3A_11 : vector<1x768x1024xf32> to vector<768x1024xf32>
      %convert_element_type3A_13 = arith.truncf %get3A_12 : vector<768x1024xf32> to vector<768x1024xbf16>
      %dot_general3A = arith.constant dense<0.000000e+00> : vector<384x768xf32>
      %dot_general3A_14 = tpu.matmul %convert_element_type3A_7, %convert_element_type3A_13, %dot_general3A {dimension_numbers = #tpu.dot_dimension_numbers<[1], [1], [0], [0], [0, 0, 1, 0], [], []>, transpose_lhs_hint = false} : vector<384x1024xbf16>, vector<768x1024xbf16>, vector<384x768xf32> -> vector<384x768xf32>
      %get3A_15 = arith.constant 0 : index
      %get3A_16 = arith.constant 0 : index
      %get3A_17 = arith.constant 0 : index
      %get3A_18 = vector.load %arg4[%get3A_15, %get3A_16, %get3A_17] : memref<1x768x1024xf32, #tpu.memory_space<vmem>>, vector<1x768x1024xf32>
      %get3A_19 = vector.shape_cast %get3A_18 : vector<1x768x1024xf32> to vector<768x1024xf32>
      %convert_element_type3A_20 = arith.truncf %get3A_19 : vector<768x1024xf32> to vector<768x1024xbf16>
      %dot_general3A_21 = arith.constant dense<0.000000e+00> : vector<384x768xf32>
      %dot_general3A_22 = tpu.matmul %convert_element_type3A_7, %convert_element_type3A_20, %dot_general3A_21 {dimension_numbers = #tpu.dot_dimension_numbers<[1], [1], [0], [0], [0, 0, 1, 0], [], []>, transpose_lhs_hint = false} : vector<384x1024xbf16>, vector<768x1024xbf16>, vector<384x768xf32> -> vector<384x768xf32>
      %logistic3A = arith.negf %dot_general3A_14 : vector<384x768xf32>
      %logistic3A_23 = math.exp %logistic3A : vector<384x768xf32>
      %logistic3A_24 = arith.constant 1.000000e+00 : f32
      %logistic3A_25 = vector.broadcast %logistic3A_24 : f32 to vector<384x768xf32>
      %logistic3A_26 = arith.addf %logistic3A_25, %logistic3A_23 : vector<384x768xf32>
      %logistic3A_27 = arith.divf %logistic3A_25, %logistic3A_26 : vector<384x768xf32>
      %mul3A = arith.mulf %dot_general3A_14, %logistic3A_27 : vector<384x768xf32>
      %mul3A_28 = arith.mulf %mul3A, %dot_general3A_22 : vector<384x768xf32>
      %convert_element_type3A_29 = arith.truncf %mul3A_28 : vector<384x768xf32> to vector<384x768xbf16>
      %get3A_30 = arith.constant 0 : index
      %get3A_31 = arith.constant 0 : index
      %get3A_32 = arith.constant 0 : index
      %get3A_33 = vector.load %arg5[%get3A_30, %get3A_31, %get3A_32] : memref<1x1024x768xf32, #tpu.memory_space<vmem>>, vector<1x1024x768xf32>
      %get3A_34 = vector.shape_cast %get3A_33 : vector<1x1024x768xf32> to vector<1024x768xf32>
      %convert_element_type3A_35 = arith.truncf %get3A_34 : vector<1024x768xf32> to vector<1024x768xbf16>
      %dot_general3A_36 = arith.constant dense<0.000000e+00> : vector<384x1024xf32>
      %dot_general3A_37 = tpu.matmul %convert_element_type3A_29, %convert_element_type3A_35, %dot_general3A_36 {dimension_numbers = #tpu.dot_dimension_numbers<[1], [1], [0], [0], [0, 0, 1, 0], [], []>, transpose_lhs_hint = false} : vector<384x768xbf16>, vector<1024x768xbf16>, vector<384x1024xf32> -> vector<384x1024xf32>
      %swap3A = arith.constant 0 : index
      %swap3A_38 = arith.constant 0 : index
      %swap3A_39 = vector.load %arg6[%swap3A, %swap3A_38] : memref<384x1024xf32, #tpu.memory_space<vmem>>, vector<384x1024xf32>
      tpu.vector_store %arg6[%swap3A, %swap3A_38], %dot_general3A_37 {strides = array<i32>} : memref<384x1024xf32, #tpu.memory_space<vmem>>, vector<384x1024xf32>,
    } else {
    }
    return
  }
  func.func @transform_0(%arg0: i32, %arg1: memref<3x19xi32, #tpu.memory_space<smem>>) -> (i32, i32) {
    %get3A = arith.constant 0 : index
    %get3A_0 = arith.index_cast %arg0 : i32 to index
    %get3A_1 = memref.load %arg1[%get3A, %get3A_0] : memref<3x19xi32, #tpu.memory_space<smem>>
    %c0_i32 = arith.constant 0 : i32
    %c0_i32_2 = arith.constant 0 : i32
    return %get3A_1, %c0_i32 : i32, i32
  }
  func.func @transform_1(%arg0: i32, %arg1: memref<3x19xi32, #tpu.memory_space<smem>>) -> (i32, i32, i32) {
    %get3A = arith.constant 1 : index
    %get3A_0 = arith.index_cast %arg0 : i32 to index
    %get3A_1 = memref.load %arg1[%get3A, %get3A_0] : memref<3x19xi32, #tpu.memory_space<smem>>
    %c0_i32 = arith.constant 0 : i32
    %c0_i32_2 = arith.constant 0 : i32
    %c0_i32_3 = arith.constant 0 : i32
    return %get3A_1, %c0_i32, %c0_i32_2 : i32, i32, i32
  }
  func.func @transform_2(%arg0: i32, %arg1: memref<3x19xi32, #tpu.memory_space<smem>>) -> (i32, i32, i32) {
    %get3A = arith.constant 1 : index
    %get3A_0 = arith.index_cast %arg0 : i32 to index
    %get3A_1 = memref.load %arg1[%get3A, %get3A_0] : memref<3x19xi32, #tpu.memory_space<smem>>
    %c0_i32 = arith.constant 0 : i32
    %c0_i32_2 = arith.constant 0 : i32
    %c0_i32_3 = arith.constant 0 : i32
    return %get3A_1, %c0_i32, %c0_i32_2 : i32, i32, i32
  }
  func.func @transform_3(%arg0: i32, %arg1: memref<3x19xi32, #tpu.memory_space<smem>>) -> (i32, i32, i32) {
    %get3A = arith.constant 1 : index
    %get3A_0 = arith.index_cast %arg0 : i32 to index
    %get3A_1 = memref.load %arg1[%get3A, %get3A_0] : memref<3x19xi32, #tpu.memory_space<smem>>
    %c0_i32 = arith.constant 0 : i32
    %c0_i32_2 = arith.constant 0 : i32
    %c0_i32_3 = arith.constant 0 : i32
    return %get3A_1, %c0_i32, %c0_i32_2 : i32, i32, i32
  }
  func.func @transform_4(%arg0: i32, %arg1: memref<3x19xi32, #tpu.memory_space<smem>>) -> (i32, i32) {
    %get3A = arith.constant 0 : index
    %get3A_0 = arith.index_cast %arg0 : i32 to index
    %get3A_1 = memref.load %arg1[%get3A, %get3A_0] : memref<3x19xi32, #tpu.memory_space<smem>>
    %c0_i32 = arith.constant 0 : i32
    %c0_i32_2 = arith.constant 0 : i32
    return %get3A_1, %c0_i32 : i32, i32
  }
}

module attributes {stable_mosaic.version = 14 : i64} {
  func.func @_router_dispatch_kernel(%arg0: i32, %arg1: memref<2048x1024xf32, #tpu.memory_space<vmem>>, %arg2: memref<8x1024xf32, #tpu.memory_space<vmem>>, %arg3: memref<2048x2048xf8E4M3FN, #tpu.memory_space<vmem>>, %arg4: memref<2048x2xf32, #tpu.memory_space<vmem>>, %arg5: memref<2x2048xi32, #tpu.memory_space<vmem>>, %arg6: memref<3x19xi32, #tpu.memory_space<vmem>>) attributes {dimension_semantics = [#tpu.dimension_semantics<arbitrary>], iteration_bounds = array<i64: 1>, scalar_prefetch = 0 : i64, scratch_operands = 0 : i64, tpu.core_type = #tpu.core_type<tc>, window_params = [{pipeline_mode = #tpu.pipeline_mode<synchronous>, transform_indices = @transform_0, window_bounds = array<i64: 2048, 1024>}, {pipeline_mode = #tpu.pipeline_mode<synchronous>, transform_indices = @transform_1, window_bounds = array<i64: 8, 1024>}, {pipeline_mode = #tpu.pipeline_mode<synchronous>, transform_indices = @transform_2, window_bounds = array<i64: 2048, 2048>}, {pipeline_mode = #tpu.pipeline_mode<synchronous>, transform_indices = @transform_3, window_bounds = array<i64: 2048, 2>}, {pipeline_mode = #tpu.pipeline_mode<synchronous>, transform_indices = @transform_4, window_bounds = array<i64: 2, 2048>}, {pipeline_mode = #tpu.pipeline_mode<synchronous>, transform_indices = @transform_5, window_bounds = array<i64: 3, 19>}]} {
    %get3A = arith.constant 0 : index
    %get3A_0 = arith.constant 0 : index
    %get3A_1 = vector.load %arg1[%get3A, %get3A_0] : memref<2048x1024xf32, #tpu.memory_space<vmem>>, vector<2048x1024xf32>
    %get3A_2 = arith.constant 0 : index
    %get3A_3 = arith.constant 0 : index
    %get3A_4 = vector.load %arg2[%get3A_2, %get3A_3] : memref<8x1024xf32, #tpu.memory_space<vmem>>, vector<8x1024xf32>
    %dot_general3A = arith.constant dense<0.000000e+00> : vector<2048x8xf32>
    %dot_general3A_5 = tpu.matmul %get3A_1, %get3A_4, %dot_general3A {dimension_numbers = #tpu.dot_dimension_numbers<[1], [1], [0], [0], [0, 0, 1, 0], [], []>, transpose_lhs_hint = false} : vector<2048x1024xf32>, vector<8x1024xf32>, vector<2048x8xf32> -> vector<2048x8xf32>
    %reduce_max3A = arith.constant dense<0xFF800000> : vector<2048xf32>
    %reduce_max3A_6 = vector.multi_reduction <maximumf>, %dot_general3A_5, %reduce_max3A [1] : vector<2048x8xf32> to vector<2048xf32>
    %broadcast_in_dim3A = vector.shape_cast %reduce_max3A_6 : vector<2048xf32> to vector<2048x1xf32>
    %sub3A = vector.broadcast %broadcast_in_dim3A : vector<2048x1xf32> to vector<2048x8xf32>
    %sub3A_7 = arith.subf %dot_general3A_5, %sub3A : vector<2048x8xf32>
    %exp3A = math.exp %sub3A_7 : vector<2048x8xf32>
    %reduce_sum3A = arith.constant dense<0.000000e+00> : vector<2048xf32>
    %reduce_sum3A_8 = vector.multi_reduction <add>, %exp3A, %reduce_sum3A [1] : vector<2048x8xf32> to vector<2048xf32>
    %broadcast_in_dim3A_9 = vector.shape_cast %reduce_sum3A_8 : vector<2048xf32> to vector<2048x1xf32>
    %div3A = vector.broadcast %broadcast_in_dim3A_9 : vector<2048x1xf32> to vector<2048x8xf32>
    %div3A_10 = arith.divf %exp3A, %div3A : vector<2048x8xf32>
    %iota3A = tpu.iota {dimensions = array<i32: 1>} : vector<2048x8xi32>
    %reduce_max3A_11 = arith.constant dense<0xFF800000> : vector<2048xf32>
    %reduce_max3A_12 = vector.multi_reduction <maximumf>, %div3A_10, %reduce_max3A_11 [1] : vector<2048x8xf32> to vector<2048xf32>
    %broadcast_in_dim3A_13 = vector.shape_cast %reduce_max3A_12 : vector<2048xf32> to vector<2048x1xf32>
    %eq3A = vector.broadcast %broadcast_in_dim3A_13 : vector<2048x1xf32> to vector<2048x8xf32>
    %eq3A_14 = arith.cmpf oeq, %div3A_10, %eq3A : vector<2048x8xf32>
    %jit3A = arith.constant 8 : i32
    %broadcast_in_dim3A_15 = vector.broadcast %jit3A : i32 to vector<2048x8xi32>
    %select_n3A = arith.select %eq3A_14, %iota3A, %broadcast_in_dim3A_15 : vector<2048x8xi1>, vector<2048x8xi32>
    %reduce_min3A = arith.constant dense<2147483647> : vector<2048xi32>
    %reduce_min3A_16 = vector.multi_reduction <minsi>, %select_n3A, %reduce_min3A [1] : vector<2048x8xi32> to vector<2048xi32>
    %broadcast_in_dim3A_17 = vector.shape_cast %reduce_min3A_16 : vector<2048xi32> to vector<2048x1xi32>
    %eq3A_18 = vector.broadcast %broadcast_in_dim3A_17 : vector<2048x1xi32> to vector<2048x8xi32>
    %eq3A_19 = arith.cmpi eq, %iota3A, %eq3A_18 : vector<2048x8xi32>
    %jit3A_20 = arith.constant -1.000000e+00 : f32
    %broadcast_in_dim3A_21 = vector.broadcast %jit3A_20 : f32 to vector<2048x8xf32>
    %select_n3A_22 = arith.select %eq3A_19, %broadcast_in_dim3A_21, %div3A_10 : vector<2048x8xi1>, vector<2048x8xf32>
    %reduce_max3A_23 = arith.constant dense<0xFF800000> : vector<2048xf32>
    %reduce_max3A_24 = vector.multi_reduction <maximumf>, %select_n3A_22, %reduce_max3A_23 [1] : vector<2048x8xf32> to vector<2048xf32>
    %broadcast_in_dim3A_25 = vector.shape_cast %reduce_max3A_24 : vector<2048xf32> to vector<2048x1xf32>
    %eq3A_26 = vector.broadcast %broadcast_in_dim3A_25 : vector<2048x1xf32> to vector<2048x8xf32>
    %eq3A_27 = arith.cmpf oeq, %select_n3A_22, %eq3A_26 : vector<2048x8xf32>
    %jit3A_28 = arith.constant 8 : i32
    %broadcast_in_dim3A_29 = vector.broadcast %jit3A_28 : i32 to vector<2048x8xi32>
    %select_n3A_30 = arith.select %eq3A_27, %iota3A, %broadcast_in_dim3A_29 : vector<2048x8xi1>, vector<2048x8xi32>
    %reduce_min3A_31 = arith.constant dense<2147483647> : vector<2048xi32>
    %reduce_min3A_32 = vector.multi_reduction <minsi>, %select_n3A_30, %reduce_min3A_31 [1] : vector<2048x8xi32> to vector<2048xi32>
    %broadcast_in_dim3A_33 = vector.shape_cast %reduce_min3A_32 : vector<2048xi32> to vector<2048x1xi32>
    %eq3A_34 = vector.broadcast %broadcast_in_dim3A_33 : vector<2048x1xi32> to vector<2048x8xi32>
    %eq3A_35 = arith.cmpi eq, %iota3A, %eq3A_34 : vector<2048x8xi32>
    %add3A = arith.addf %broadcast_in_dim3A_13, %broadcast_in_dim3A_25 : vector<2048x1xf32>
    %div3A_36 = arith.divf %broadcast_in_dim3A_13, %add3A : vector<2048x1xf32>
    %div3A_37 = arith.divf %broadcast_in_dim3A_25, %add3A : vector<2048x1xf32>
    %concatenate3A = tpu.concatenate %div3A_36, %div3A_37 in 1 : vector<2048x1xf32>, vector<2048x1xf32> -> vector<2048x2xf32>
    %swap3A = arith.constant 0 : index
    %swap3A_38 = arith.constant 0 : index
    %swap3A_39 = vector.load %arg4[%swap3A, %swap3A_38] : memref<2048x2xf32, #tpu.memory_space<vmem>>, vector<2048x2xf32>
    tpu.vector_store %arg4[%swap3A, %swap3A_38], %concatenate3A {strides = array<i32>} : memref<2048x2xf32, #tpu.memory_space<vmem>>, vector<2048x2xf32>,
    %convert_element_type3A = arith.extui %eq3A_19 : vector<2048x8xi1> to vector<2048x8xi32>
    %convert_element_type3A_40 = arith.sitofp %convert_element_type3A : vector<2048x8xi32> to vector<2048x8xf32>
    %convert_element_type3A_41 = arith.truncf %convert_element_type3A_40 : vector<2048x8xf32> to vector<2048x8xbf16>
    %convert_element_type3A_42 = arith.extui %eq3A_35 : vector<2048x8xi1> to vector<2048x8xi32>
    %convert_element_type3A_43 = arith.sitofp %convert_element_type3A_42 : vector<2048x8xi32> to vector<2048x8xf32>
    %convert_element_type3A_44 = arith.truncf %convert_element_type3A_43 : vector<2048x8xf32> to vector<2048x8xbf16>
    %add3A_45 = arith.addf %convert_element_type3A_41, %convert_element_type3A_44 : vector<2048x8xbf16>
    %convert_element_type3A_46 = arith.truncf %add3A_45 : vector<2048x8xbf16> to vector<2048x8xf8E4M3FN>
    %get3A_47 = arith.constant 0 : index
    %get3A_48 = arith.constant 0 : index
    %get3A_49 = vector.load %arg3[%get3A_47, %get3A_48] : memref<2048x2048xf8E4M3FN, #tpu.memory_space<vmem>>, vector<2048x2048xf8E4M3FN>
    %dot_general3A_50 = arith.constant dense<0.000000e+00> : vector<8x2048xf32>
    %dot_general3A_51 = tpu.matmul %convert_element_type3A_46, %get3A_49, %dot_general3A_50 {dimension_numbers = #tpu.dot_dimension_numbers<[0], [0], [1], [1], [0, 1, 1, 1], [], []>, transpose_lhs_hint = false} : vector<2048x8xf8E4M3FN>, vector<2048x2048xf8E4M3FN>, vector<8x2048xf32> -> vector<8x2048xf32>
    %iota3A_52 = tpu.iota {dimensions = array<i32: 0>} : vector<8x8xi32>
    %iota3A_53 = tpu.iota {dimensions = array<i32: 1>} : vector<8x8xi32>
    %eq3A_54 = arith.cmpi eq, %iota3A_52, %iota3A_53 : vector<8x8xi32>
    %convert_element_type3A_55 = arith.extui %eq3A_54 : vector<8x8xi1> to vector<8x8xi32>
    %convert_element_type3A_56 = arith.sitofp %convert_element_type3A_55 : vector<8x8xi32> to vector<8x8xf32>
    %convert_element_type3A_57 = arith.truncf %convert_element_type3A_56 : vector<8x8xf32> to vector<8x8xbf16>
    %dot_general3A_58 = arith.constant dense<0.000000e+00> : vector<8x2048xf32>
    %dot_general3A_59 = tpu.matmul %convert_element_type3A_57, %convert_element_type3A_41, %dot_general3A_58 {dimension_numbers = #tpu.dot_dimension_numbers<[1], [1], [0], [0], [0, 0, 1, 0], [], []>, transpose_lhs_hint = false} : vector<8x8xbf16>, vector<2048x8xbf16>, vector<8x2048xf32> -> vector<8x2048xf32>
    %dot_general3A_60 = arith.constant dense<0.000000e+00> : vector<8x2048xf32>
    %dot_general3A_61 = tpu.matmul %convert_element_type3A_57, %convert_element_type3A_44, %dot_general3A_60 {dimension_numbers = #tpu.dot_dimension_numbers<[1], [1], [0], [0], [0, 0, 1, 0], [], []>, transpose_lhs_hint = false} : vector<8x8xbf16>, vector<2048x8xbf16>, vector<8x2048xf32> -> vector<8x2048xf32>
    %add3A_62 = arith.addf %dot_general3A_59, %dot_general3A_61 : vector<8x2048xf32>
    %slice3A = vector.extract_strided_slice %dot_general3A_51 {offsets = [0, 2047], sizes = [8, 1], strides = [1, 1]} : vector<8x2048xf32> to vector<8x1xf32>
    %slice3A_63 = vector.extract_strided_slice %add3A_62 {offsets = [0, 2047], sizes = [8, 1], strides = [1, 1]} : vector<8x2048xf32> to vector<8x1xf32>
    %add3A_64 = arith.addf %slice3A, %slice3A_63 : vector<8x1xf32>
    %convert_element_type3A_65 = arith.fptosi %add3A_64 : vector<8x1xf32> to vector<8x1xi32>
    %add3A_66 = arith.constant 384 : i32
    %add3A_67 = vector.broadcast %add3A_66 : i32 to vector<8x1xi32>
    %add3A_68 = arith.addi %convert_element_type3A_65, %add3A_67 : vector<8x1xi32>
    %sub3A_69 = arith.constant 1 : i32
    %sub3A_70 = vector.broadcast %sub3A_69 : i32 to vector<8x1xi32>
    %sub3A_71 = arith.subi %add3A_68, %sub3A_70 : vector<8x1xi32>
    %jit3A_72 = arith.constant 384 : i32
    %div3A_73 = vector.broadcast %jit3A_72 : i32 to vector<8x1xi32>
    %div3A_74 = arith.divsi %sub3A_71, %div3A_73 : vector<8x1xi32>
    %sign3A = arith.constant 0 : i32
    %sign3A_75 = vector.broadcast %sign3A : i32 to vector<8x1xi32>
    %sign3A_76 = arith.cmpi sgt, %sub3A_71, %sign3A_75 : vector<8x1xi32>
    %sign3A_77 = arith.extui %sign3A_76 : vector<8x1xi1> to vector<8x1xi32>
    %sign3A_78 = arith.constant 0 : i32
    %sign3A_79 = vector.broadcast %sign3A_78 : i32 to vector<8x1xi32>
    %sign3A_80 = arith.cmpi slt, %sub3A_71, %sign3A_79 : vector<8x1xi32>
    %sign3A_81 = arith.extui %sign3A_80 : vector<8x1xi1> to vector<8x1xi32>
    %sign3A_82 = arith.subi %sign3A_77, %sign3A_81 : vector<8x1xi32>
    %sign3A_83 = arith.constant 0 : i32
    %sign3A_84 = arith.cmpi sgt, %jit3A_72, %sign3A_83 : i32
    %sign3A_85 = arith.extui %sign3A_84 : i1 to i32
    %sign3A_86 = arith.constant 0 : i32
    %sign3A_87 = arith.cmpi slt, %jit3A_72, %sign3A_86 : i32
    %sign3A_88 = arith.extui %sign3A_87 : i1 to i32
    %sign3A_89 = arith.subi %sign3A_85, %sign3A_88 : i32
    %ne3A = vector.broadcast %sign3A_89 : i32 to vector<8x1xi32>
    %ne3A_90 = arith.cmpi ne, %sign3A_82, %ne3A : vector<8x1xi32>
    %rem3A = vector.broadcast %jit3A_72 : i32 to vector<8x1xi32>
    %rem3A_91 = arith.remsi %sub3A_71, %rem3A : vector<8x1xi32>
    %ne3A_92 = arith.constant 0 : i32
    %ne3A_93 = vector.broadcast %ne3A_92 : i32 to vector<8x1xi32>
    %ne3A_94 = arith.cmpi ne, %rem3A_91, %ne3A_93 : vector<8x1xi32>
    %and3A = arith.andi %ne3A_90, %ne3A_94 : vector<8x1xi1>
    %sub3A_95 = arith.constant 1 : i32
    %sub3A_96 = vector.broadcast %sub3A_95 : i32 to vector<8x1xi32>
    %sub3A_97 = arith.subi %div3A_74, %sub3A_96 : vector<8x1xi32>
    %select_n3A_98 = arith.select %and3A, %sub3A_97, %div3A_74 : vector<8x1xi1>, vector<8x1xi32>
    %mul3A = arith.constant 384 : i32
    %mul3A_99 = vector.broadcast %mul3A : i32 to vector<8x1xi32>
    %mul3A_100 = arith.muli %select_n3A_98, %mul3A_99 : vector<8x1xi32>
    %convert_element_type3A_101 = arith.sitofp %mul3A_100 : vector<8x1xi32> to vector<8x1xf32>
    %broadcast_in_dim3A_102 = arith.constant 0.000000e+00 : f32
    %broadcast_in_dim3A_103 = vector.broadcast %broadcast_in_dim3A_102 : f32 to vector<1x1xf32>
    %slice3A_104 = vector.extract_strided_slice %convert_element_type3A_101 {offsets = [0, 0], sizes = [7, 1], strides = [1, 1]} : vector<8x1xf32> to vector<7x1xf32>
    %concatenate3A_105 = tpu.concatenate %broadcast_in_dim3A_103, %slice3A_104 in 0 : vector<1x1xf32>, vector<7x1xf32> -> vector<8x1xf32>
    %add3A_106 = arith.addf %convert_element_type3A_101, %concatenate3A_105 : vector<8x1xf32>
    %broadcast_in_dim3A_107 = arith.constant 0.000000e+00 : f32
    %broadcast_in_dim3A_108 = vector.broadcast %broadcast_in_dim3A_107 : f32 to vector<2x1xf32>
    %slice3A_109 = vector.extract_strided_slice %add3A_106 {offsets = [0, 0], sizes = [6, 1], strides = [1, 1]} : vector<8x1xf32> to vector<6x1xf32>
    %concatenate3A_110 = tpu.concatenate %broadcast_in_dim3A_108, %slice3A_109 in 0 : vector<2x1xf32>, vector<6x1xf32> -> vector<8x1xf32>
    %add3A_111 = arith.addf %add3A_106, %concatenate3A_110 : vector<8x1xf32>
    %broadcast_in_dim3A_112 = arith.constant 0.000000e+00 : f32
    %broadcast_in_dim3A_113 = vector.broadcast %broadcast_in_dim3A_112 : f32 to vector<4x1xf32>
    %slice3A_114 = vector.extract_strided_slice %add3A_111 {offsets = [0, 0], sizes = [4, 1], strides = [1, 1]} : vector<8x1xf32> to vector<4x1xf32>
    %concatenate3A_115 = tpu.concatenate %broadcast_in_dim3A_113, %slice3A_114 in 0 : vector<4x1xf32>, vector<4x1xf32> -> vector<8x1xf32>
    %add3A_116 = arith.addf %add3A_111, %concatenate3A_115 : vector<8x1xf32>
    %sub3A_117 = arith.subf %add3A_116, %convert_element_type3A_101 : vector<8x1xf32>
    %reduce_sum3A_118 = arith.constant dense<0.000000e+00> : vector<1xf32>
    %reduce_sum3A_119 = vector.multi_reduction <add>, %convert_element_type3A_101, %reduce_sum3A_118 [0] : vector<8x1xf32> to vector<1xf32>
    %broadcast_in_dim3A_120 = vector.shape_cast %reduce_sum3A_119 : vector<1xf32> to vector<1x1xf32>
    %mul3A_121 = arith.mulf %dot_general3A_59, %dot_general3A_51 : vector<8x2048xf32>
    %reduce_sum3A_122 = arith.constant dense<0.000000e+00> : vector<2048xf32>
    %reduce_sum3A_123 = vector.multi_reduction <add>, %mul3A_121, %reduce_sum3A_122 [0] : vector<8x2048xf32> to vector<2048xf32>
    %broadcast_in_dim3A_124 = vector.shape_cast %reduce_sum3A_123 : vector<2048xf32> to vector<1x2048xf32>
    %mul3A_125 = arith.mulf %dot_general3A_61, %dot_general3A_51 : vector<8x2048xf32>
    %reduce_sum3A_126 = arith.constant dense<0.000000e+00> : vector<2048xf32>
    %reduce_sum3A_127 = vector.multi_reduction <add>, %mul3A_125, %reduce_sum3A_126 [0] : vector<8x2048xf32> to vector<2048xf32>
    %broadcast_in_dim3A_128 = vector.shape_cast %reduce_sum3A_127 : vector<2048xf32> to vector<1x2048xf32>
    %mul3A_129 = vector.broadcast %sub3A_117 : vector<8x1xf32> to vector<8x2048xf32>
    %mul3A_130 = arith.mulf %dot_general3A_59, %mul3A_129 : vector<8x2048xf32>
    %reduce_sum3A_131 = arith.constant dense<0.000000e+00> : vector<2048xf32>
    %reduce_sum3A_132 = vector.multi_reduction <add>, %mul3A_130, %reduce_sum3A_131 [0] : vector<8x2048xf32> to vector<2048xf32>
    %broadcast_in_dim3A_133 = vector.shape_cast %reduce_sum3A_132 : vector<2048xf32> to vector<1x2048xf32>
    %mul3A_134 = vector.broadcast %sub3A_117 : vector<8x1xf32> to vector<8x2048xf32>
    %mul3A_135 = arith.mulf %dot_general3A_61, %mul3A_134 : vector<8x2048xf32>
    %reduce_sum3A_136 = arith.constant dense<0.000000e+00> : vector<2048xf32>
    %reduce_sum3A_137 = vector.multi_reduction <add>, %mul3A_135, %reduce_sum3A_136 [0] : vector<8x2048xf32> to vector<2048xf32>
    %broadcast_in_dim3A_138 = vector.shape_cast %reduce_sum3A_137 : vector<2048xf32> to vector<1x2048xf32>
    %add3A_139 = arith.addf %broadcast_in_dim3A_133, %broadcast_in_dim3A_124 : vector<1x2048xf32>
    %add3A_140 = arith.addf %broadcast_in_dim3A_138, %broadcast_in_dim3A_128 : vector<1x2048xf32>
    %concatenate3A_141 = tpu.concatenate %add3A_139, %add3A_140 in 0 : vector<1x2048xf32>, vector<1x2048xf32> -> vector<2x2048xf32>
    %convert_element_type3A_142 = arith.fptosi %concatenate3A_141 : vector<2x2048xf32> to vector<2x2048xi32>
    %swap3A_143 = arith.constant 0 : index
    %swap3A_144 = arith.constant 0 : index
    %swap3A_145 = vector.load %arg5[%swap3A_143, %swap3A_144] : memref<2x2048xi32, #tpu.memory_space<vmem>>, vector<2x2048xi32>
    tpu.vector_store %arg5[%swap3A_143, %swap3A_144], %convert_element_type3A_142 {strides = array<i32>} : memref<2x2048xi32, #tpu.memory_space<vmem>>, vector<2x2048xi32>,
    %iota3A_146 = tpu.iota {dimensions = array<i32: 1>} : vector<1x19xi32>
    %convert_element_type3A_147 = arith.sitofp %iota3A_146 : vector<1x19xi32> to vector<1x19xf32>
    %mul3A_148 = arith.constant 3.840000e+02 : f32
    %mul3A_149 = vector.broadcast %mul3A_148 : f32 to vector<1x19xf32>
    %mul3A_150 = arith.mulf %convert_element_type3A_147, %mul3A_149 : vector<1x19xf32>
    %le3A = vector.broadcast %sub3A_117 : vector<8x1xf32> to vector<8x19xf32>
    %le3A_151 = vector.broadcast %mul3A_150 : vector<1x19xf32> to vector<8x19xf32>
    %le3A_152 = arith.cmpf ole, %le3A, %le3A_151 : vector<8x19xf32>
    %convert_element_type3A_153 = arith.extui %le3A_152 : vector<8x19xi1> to vector<8x19xi32>
    %convert_element_type3A_154 = arith.sitofp %convert_element_type3A_153 : vector<8x19xi32> to vector<8x19xf32>
    %reduce_sum3A_155 = arith.constant dense<0.000000e+00> : vector<19xf32>
    %reduce_sum3A_156 = vector.multi_reduction <add>, %convert_element_type3A_154, %reduce_sum3A_155 [0] : vector<8x19xf32> to vector<19xf32>
    %broadcast_in_dim3A_157 = vector.shape_cast %reduce_sum3A_156 : vector<19xf32> to vector<1x19xf32>
    %sub3A_158 = arith.constant 1.000000e+00 : f32
    %sub3A_159 = vector.broadcast %sub3A_158 : f32 to vector<1x19xf32>
    %sub3A_160 = arith.subf %broadcast_in_dim3A_157, %sub3A_159 : vector<1x19xf32>
    %lt3A = vector.broadcast %broadcast_in_dim3A_120 : vector<1x1xf32> to vector<1x19xf32>
    %lt3A_161 = arith.cmpf olt, %mul3A_150, %lt3A : vector<1x19xf32>
    %div3A_162 = arith.constant 3.840000e+02 : f32
    %div3A_163 = vector.broadcast %div3A_162 : f32 to vector<1x1xf32>
    %div3A_164 = arith.divf %broadcast_in_dim3A_120, %div3A_163 : vector<1x1xf32>
    %sub3A_165 = arith.constant 1.000000e+00 : f32
    %sub3A_166 = vector.broadcast %sub3A_165 : f32 to vector<1x1xf32>
    %sub3A_167 = arith.subf %div3A_164, %sub3A_166 : vector<1x1xf32>
    %broadcast_in_dim3A_168 = vector.shape_cast %sub3A_167 : vector<1x1xf32> to vector<1x1xf32>
    %broadcast_in_dim3A_169 = vector.broadcast %broadcast_in_dim3A_168 : vector<1x1xf32> to vector<1x19xf32>
    %select_n3A_170 = arith.select %lt3A_161, %convert_element_type3A_147, %broadcast_in_dim3A_169 : vector<1x19xi1>, vector<1x19xf32>
    %eq3A_171 = vector.broadcast %sub3A_167 : vector<1x1xf32> to vector<1x19xf32>
    %eq3A_172 = arith.cmpf oeq, %convert_element_type3A_147, %eq3A_171 : vector<1x19xf32>
    %jit3A_173 = arith.constant 0.000000e+00 : f32
    %broadcast_in_dim3A_174 = vector.broadcast %jit3A_173 : f32 to vector<1x19xf32>
    %select_n3A_175 = arith.select %eq3A_172, %sub3A_160, %broadcast_in_dim3A_174 : vector<1x19xi1>, vector<1x19xf32>
    %reduce_sum3A_176 = arith.constant dense<0.000000e+00> : vector<1xf32>
    %reduce_sum3A_177 = vector.multi_reduction <add>, %select_n3A_175, %reduce_sum3A_176 [1] : vector<1x19xf32> to vector<1xf32>
    %broadcast_in_dim3A_178 = vector.shape_cast %reduce_sum3A_177 : vector<1xf32> to vector<1x1xf32>
    %broadcast_in_dim3A_179 = vector.shape_cast %broadcast_in_dim3A_178 : vector<1x1xf32> to vector<1x1xf32>
    %broadcast_in_dim3A_180 = vector.broadcast %broadcast_in_dim3A_179 : vector<1x1xf32> to vector<1x19xf32>
    %select_n3A_181 = arith.select %lt3A_161, %sub3A_160, %broadcast_in_dim3A_180 : vector<1x19xi1>, vector<1x19xf32>
    %convert_element_type3A_182 = arith.extui %lt3A_161 : vector<1x19xi1> to vector<1x19xi32>
    %convert_element_type3A_183 = arith.sitofp %convert_element_type3A_182 : vector<1x19xi32> to vector<1x19xf32>
    %concatenate3A_184 = tpu.concatenate %select_n3A_170, %select_n3A_181, %convert_element_type3A_183 in 0 : vector<1x19xf32>, vector<1x19xf32>, vector<1x19xf32> -> vector<3x19xf32>
    %convert_element_type3A_185 = arith.fptosi %concatenate3A_184 : vector<3x19xf32> to vector<3x19xi32>
    %swap3A_186 = arith.constant 0 : index
    %swap3A_187 = arith.constant 0 : index
    %swap3A_188 = vector.load %arg6[%swap3A_186, %swap3A_187] : memref<3x19xi32, #tpu.memory_space<vmem>>, vector<3x19xi32>
    tpu.vector_store %arg6[%swap3A_186, %swap3A_187], %convert_element_type3A_185 {strides = array<i32>} : memref<3x19xi32, #tpu.memory_space<vmem>>, vector<3x19xi32>,
    return
  }
  func.func @transform_0(%arg0: i32) -> (i32, i32) {
    %c0_i32 = arith.constant 0 : i32
    %c0_i32_0 = arith.constant 0 : i32
    %c0_i32_1 = arith.constant 0 : i32
    return %c0_i32, %c0_i32_0 : i32, i32
  }
  func.func @transform_1(%arg0: i32) -> (i32, i32) {
    %c0_i32 = arith.constant 0 : i32
    %c0_i32_0 = arith.constant 0 : i32
    %c0_i32_1 = arith.constant 0 : i32
    return %c0_i32, %c0_i32_0 : i32, i32
  }
  func.func @transform_2(%arg0: i32) -> (i32, i32) {
    %c0_i32 = arith.constant 0 : i32
    %c0_i32_0 = arith.constant 0 : i32
    %c0_i32_1 = arith.constant 0 : i32
    return %c0_i32, %c0_i32_0 : i32, i32
  }
  func.func @transform_3(%arg0: i32) -> (i32, i32) {
    %c0_i32 = arith.constant 0 : i32
    %c0_i32_0 = arith.constant 0 : i32
    %c0_i32_1 = arith.constant 0 : i32
    return %c0_i32, %c0_i32_0 : i32, i32
  }
  func.func @transform_4(%arg0: i32) -> (i32, i32) {
    %c0_i32 = arith.constant 0 : i32
    %c0_i32_0 = arith.constant 0 : i32
    %c0_i32_1 = arith.constant 0 : i32
    return %c0_i32, %c0_i32_0 : i32, i32
  }
  func.func @transform_5(%arg0: i32) -> (i32, i32) {
    %c0_i32 = arith.constant 0 : i32
    %c0_i32_0 = arith.constant 0 : i32
    %c0_i32_1 = arith.constant 0 : i32
    return %c0_i32, %c0_i32_0 : i32, i32
  }
}

module attributes {stable_mosaic.version = 14 : i64} {
  func.func @_combine_kernel(%arg0: i32, %arg1: memref<512x2xf32, #tpu.memory_space<vmem>>, %arg2: memref<512x1024xf32, #tpu.memory_space<vmem>>, %arg3: memref<512x1024xf32, #tpu.memory_space<vmem>>, %arg4: memref<512x1024xf32, #tpu.memory_space<vmem>>) attributes {dimension_semantics = [#tpu.dimension_semantics<arbitrary>], iteration_bounds = array<i64: 4>, scalar_prefetch = 0 : i64, scratch_operands = 0 : i64, tpu.core_type = #tpu.core_type<tc>, window_params = [{transform_indices = @transform_0, window_bounds = array<i64: 512, 2>}, {transform_indices = @transform_1, window_bounds = array<i64: 512, 1024>}, {transform_indices = @transform_2, window_bounds = array<i64: 512, 1024>}, {transform_indices = @transform_3, window_bounds = array<i64: 512, 1024>}]} {
    %get3A = arith.constant 0 : index
    %get3A_0 = arith.constant 0 : index
    %get3A_1 = vector.load %arg1[%get3A, %get3A_0] : memref<512x2xf32, #tpu.memory_space<vmem>>, vector<512x2xf32>
    %slice3A = vector.extract_strided_slice %get3A_1 {offsets = [0, 0], sizes = [512, 1], strides = [1, 1]} : vector<512x2xf32> to vector<512x1xf32>
    %get3A_2 = arith.constant 0 : index
    %get3A_3 = arith.constant 0 : index
    %get3A_4 = vector.load %arg2[%get3A_2, %get3A_3] : memref<512x1024xf32, #tpu.memory_space<vmem>>, vector<512x1024xf32>
    %mul3A = vector.broadcast %slice3A : vector<512x1xf32> to vector<512x1024xf32>
    %mul3A_5 = arith.mulf %mul3A, %get3A_4 : vector<512x1024xf32>
    %slice3A_6 = vector.extract_strided_slice %get3A_1 {offsets = [0, 1], sizes = [512, 1], strides = [1, 1]} : vector<512x2xf32> to vector<512x1xf32>
    %get3A_7 = arith.constant 0 : index
    %get3A_8 = arith.constant 0 : index
    %get3A_9 = vector.load %arg3[%get3A_7, %get3A_8] : memref<512x1024xf32, #tpu.memory_space<vmem>>, vector<512x1024xf32>
    %mul3A_10 = vector.broadcast %slice3A_6 : vector<512x1xf32> to vector<512x1024xf32>
    %mul3A_11 = arith.mulf %mul3A_10, %get3A_9 : vector<512x1024xf32>
    %add3A = arith.addf %mul3A_5, %mul3A_11 : vector<512x1024xf32>
    %swap3A = arith.constant 0 : index
    %swap3A_12 = arith.constant 0 : index
    %swap3A_13 = vector.load %arg4[%swap3A, %swap3A_12] : memref<512x1024xf32, #tpu.memory_space<vmem>>, vector<512x1024xf32>
    tpu.vector_store %arg4[%swap3A, %swap3A_12], %add3A {strides = array<i32>} : memref<512x1024xf32, #tpu.memory_space<vmem>>, vector<512x1024xf32>,
    return
  }
  func.func @transform_0(%arg0: i32) -> (i32, i32) {
    %c0_i32 = arith.constant 0 : i32
    %c0_i32_0 = arith.constant 0 : i32
    return %arg0, %c0_i32 : i32, i32
  }
  func.func @transform_1(%arg0: i32) -> (i32, i32) {
    %c0_i32 = arith.constant 0 : i32
    %c0_i32_0 = arith.constant 0 : i32
    return %arg0, %c0_i32 : i32, i32
  }
  func.func @transform_2(%arg0: i32) -> (i32, i32) {
    %c0_i32 = arith.constant 0 : i32
    %c0_i32_0 = arith.constant 0 : i32
    return %arg0, %c0_i32 : i32, i32
  }
  func.func @transform_3(%arg0: i32) -> (i32, i32) {
    %c0_i32 = arith.constant 0 : i32
    %c0_i32_0 = arith.constant 0 : i32
    return %arg0, %c0_i32 : i32, i32
  }
}

</mosaic_0001>

<sc_bundles>
// kernel: kernel.10.cloned.1.call-start
scs
__scs_entry_jumppad:
0x0: {  	(pc) =	sbr.rel $0x88, $3  }
0x1: {  	(tag) =	ssettag $0x0;
	lr =	simm.s32 $0x1  }
0x2: {  	[smem:$0x3F9C] =	sst lr;
	_ =	strace $0xD0000000  }
0x3: {  	_ = 	snop  }
0x4: {  	_ = 	snop  }
0x5: {  	_ = 	snop  }
0x6: {  	_ = 	snop  }
0x7: {  	_ = 	snop  }
__scs_overlays_trampoline_lowered:
0x8: {  	[smem:$0x3FAB] =	sst s0  }
0x9: {  	[smem:$0x3FAC] =	sst s1  }
0xa: {  	[smem:$0x3FAD] =	sst s2  }
0xb: {  	[smem:$0x3FAE] =	sst s3  }
0xc: {  	[smem:$0x3FAF] =	sst s4  }
0xd: {  	[smem:$0x3FB0] =	sst s5  }
0xe: {  	[smem:$0x3FB1] =	sst s6  }
0xf: {  	[smem:$0x3FB2] =	sst s7  }
0x10: {  	[smem:$0x3FB3] =	sst s8  }
0x11: {  	[smem:$0x3FB4] =	sst s9;
	s0 =	simm.s32 @!p0 $0x0  }
0x12: {  	s1 =	sld [smem:$0x3F9A];
	s0 =	simm.s32 @p0 $0x1  }
0x13: {  	[smem:$0x3FB5] =	sst s0;
	s0 =	simm.s32 @!p1 $0x0  }
0x14: {  	s2 =	sld [smem:$0x3F99];
	s0 =	simm.s32 @p1 $0x1  }
0x15: {  	[smem:$0x3FB6] =	sst s0;
	s0 =	simm.s32 @!p2 $0x0  }
0x16: {  	s3 =	sld [smem:$0x3FDB];
	s0 =	simm.s32 @p2 $0x1  }
0x17: {  	s4 =	simm.s32 $0x1BF5;
	[smem:$0x3FB8] =	sst s0  }
0x18: {  	s0 =	sld [smem:$0x3F9B];
	_ =	swait.ge [sflag:s4], $0x0  }
0x19: {  	s7 =	sld [smem:$0x3F9C]  }
0x1a: {  	s8 =	sadd.s32 $0xFFFFE003, lr  }
0x1b: {  	s9 =	sadd.s32 $0xFFFFFEF7, lr;
	s5 =	simm.s32 $0xFFFFFFFF;
	p2 =	slt.u32 s8, $0xFFFFF086  }
0x1c: {  	p1 =	slt.u32 s9, $0xF7A;
	s5 =	simm.s32 @!p2 $0x0  }
0x1d: {  	s5 =	simm.s32 @p1 $0x1;
	p0 =	seq.s32 s7, s2  }
0x1e: {  	s7 =	smul.u32 @!p0 $0xF7A, s2;
	p2 =	seq.s32 @!p0 s5, $0x0  }
0x1f: {  	s9 =	smul.u32 $0xF7A, s1;
	s8 =	simm.s32 @!p0 $0x1BF5;
	p2 =	por !p2, p0  }
0x20: {  	[sflag:s8] =	ssyncset.s32 @!p0 $0xFFFFF086;
	s6 =	sadd.s32 @!p0 s3, s7;
	s7 =	simm.s32 @!p0 $0x108  }
0x21: {  	s3 =	sadd.s32 s3, s9;
	s6 =	sadd.s32 @!p0 $0x88, s6;
	s7 =	simm.s32 @p2 $0x1082  }
0x22: {  	[simem:s7], [sflag:s8] =	dma.local @!p0 [hbm:s6], $0xF7A  }
0x23: {  	s9 =	sor.u32 $0xD0000000, s2;
	s6 =	simm.s32 $0x108;
	_ =	swait.ge @!p0 [sflag:s8], $0x0  }
0x24: {  	s3 =	sadd.s32 $0x88, s3;
	s6 =	simm.s32 @!p1 $0x1082;
	[sflag:s4] =	ssyncset.s32 $0xFFFFF086  }
0x25: {  	[simem:s6], [sflag:s4] =	dma.local [hbm:s3], $0xF7A  }
0x26: {  	[smem:$0x3F9C] =	sst s1;
	(tag) =	ssettag s2;
	_ =	strace s9  }
0x27: {  	s1 =	sld [smem:$0x3FAC]  }
0x28: {  	s2 =	sld [smem:$0x3FAD]  }
0x29: {  	s4 =	sld [smem:$0x3FAF]  }
0x2a: {  	p0 =	seq.s32 s5, $0x0;
	s5 =	sld [smem:$0x3FB0]  }
0x2b: {  	s6 =	sld [smem:$0x3FB1]  }
0x2c: {  	s7 =	sld [smem:$0x3FB2]  }
0x2d: {  	s3 =	simm.s32 $0x108;
	s8 =	sld [smem:$0x3FB3]  }
0x2e: {  	s3 =	simm.s32 @!p0 $0x1082;
	s9 =	sld [smem:$0x3FB4]  }
0x2f: {  	lr =	sadd.s32 s0, s3;
	s0 =	sld [smem:$0x3FAB]  }
0x30: {  	s3 =	sld [smem:$0x3FAE]  }
0x31: {  	[smem:$0x3FB7] =	sst s10  }
0x32: {  	s10 =	sld [smem:$0x3FB5];
	_ =	sdelay $0x3  }
0x33: {  	p0 =	seq.s32 s10, $0x1;
	s10 =	sld [smem:$0x3FB7];
	_ =	sdelay $0x3  }
0x34: {  	[smem:$0x3FB7] =	sst s10  }
0x35: {  	s10 =	sld [smem:$0x3FB6];
	_ =	sdelay $0x3  }
0x36: {  	p1 =	seq.s32 s10, $0x1;
	s10 =	sld [smem:$0x3FB7];
	_ =	sdelay $0x3  }
0x37: {  	[smem:$0x3FB7] =	sst s10  }
0x38: {  	s10 =	sld [smem:$0x3FB8]  }
0x39: {  	_ = 	snop;
	(pc) =	sbr.ind lr, $3  }
0x3a: {  	_ = 	snop  }
0x3b: {  	_ = 	snop  }
0x3c: {  	p2 =	seq.s32 s10, $0x1;
	s10 =	sld [smem:$0x3FB7]  }
0x3d: {  	_ =	shalt  }
0x3e: {  	_ =	shalt  }
0x3f: {  	_ =	shalt  }
0x40: {  	_ =	shalt  }
0x41: {  	_ =	shalt  }
0x42: {  	_ =	shalt  }
0x43: {  	_ =	shalt  }
0x44: {  	_ =	shalt  }
0x45: {  	_ =	shalt  }
0x46: {  	_ =	shalt  }
0x47: {  	_ =	shalt  }
0x48: {  	_ =	shalt  }
0x49: {  	_ =	shalt  }
0x4a: {  	_ =	shalt  }
0x4b: {  	_ =	shalt  }
0x4c: {  	_ =	shalt  }
0x4d: {  	_ =	shalt  }
0x4e: {  	_ =	shalt  }
0x4f: {  	_ =	shalt  }
0x50: {  	_ =	shalt  }
0x51: {  	_ =	shalt  }
0x52: {  	_ =	shalt  }
0x53: {  	_ =	shalt  }
0x54: {  	_ =	shalt  }
0x55: {  	_ =	shalt  }
0x56: {  	_ =	shalt  }
0x57: {  	_ =	shalt  }
0x58: {  	_ =	shalt  }
0x59: {  	_ =	shalt  }
0x5a: {  	_ =	shalt  }
0x5b: {  	_ =	shalt  }
0x5c: {  	_ =	shalt  }
0x5d: {  	_ =	shalt  }
0x5e: {  	_ =	shalt  }
0x5f: {  	_ =	shalt  }
0x60: {  	_ =	shalt  }
0x61: {  	_ =	shalt  }
0x62: {  	_ =	shalt  }
0x63: {  	_ =	shalt  }
0x64: {  	_ =	shalt  }
0x65: {  	_ =	shalt  }
0x66: {  	_ =	shalt  }
0x67: {  	_ =	shalt  }
0x68: {  	_ =	shalt  }
0x69: {  	_ =	shalt  }
0x6a: {  	_ =	shalt  }
0x6b: {  	_ =	shalt  }
0x6c: {  	_ =	shalt  }
0x6d: {  	_ =	shalt  }
0x6e: {  	_ =	shalt  }
0x6f: {  	_ =	shalt  }
0x70: {  	_ =	shalt  }
0x71: {  	_ =	shalt  }
0x72: {  	_ =	shalt  }
0x73: {  	_ =	shalt  }
0x74: {  	_ =	shalt  }
0x75: {  	_ =	shalt  }
0x76: {  	_ =	shalt  }
0x77: {  	_ =	shalt  }
0x78: {  	_ =	shalt  }
0x79: {  	_ =	shalt  }
0x7a: {  	_ =	shalt  }
0x7b: {  	_ =	shalt  }
0x7c: {  	_ =	shalt  }
0x7d: {  	_ =	shalt  }
0x7e: {  	_ =	shalt  }
0x7f: {  	_ =	shalt  }
0x80: {  	_ =	shalt  }
0x81: {  	_ =	shalt  }
0x82: {  	_ =	shalt  }
0x83: {  	_ =	shalt  }
0x84: {  	_ =	shalt  }
0x85: {  	_ =	shalt  }
0x86: {  	_ =	shalt  }
0x87: {  	_ =	shalt  }
.Lfunc_end0:
.L_simem_size_0:
called_computation.1_lowered:
.L_overlay_start_0:
0x88: {  	s2 =	sld [smem:$0x3FD9]  }
0x89: {  	s3 =	sld [smem:$0x3FFE];
	_ =	sdelay $0x1  }
0x8a: {  	s1 =	srdreg.scid  }
0x8b: {  	s0 =	sand.u32 $0x1, s1  }
0x8c: {  	s17 =	sshll.u32 s0, $0xA;
	s2 =	sadd.s32 s3, s2  }
0x8d: {  	s2 =	sadd.s32 s2, s17  }
0x8e: {  	[smem:$0x3FC3] =	sst s2  }
0x8f: {  	_ = 	snop  }
0x90: {  	s2 =	sld [smem:$0x3FD0];
	(tm) =	ssettm $0x1  }
0x91: {  	s18 =	sld [smem:$0x3FFB];
	_ =	sdelay $0x3  }
0x92: {  	_ =	strace s18  }
0x93: {  	s3 =	sld [smem:$0x3FFC];
	_ =	sdelay $0x3  }
0x94: {  	_ =	strace s3  }
0x95: {  	s3 =	sld [smem:$0x3FFD];
	_ =	sdelay $0x3  }
0x96: {  	_ =	strace s3  }
0x97: {  	_ =	strace $0x8FFFFFFF  }
0x98: {  	s19 =	sld [smem:$0x3FDB];
	_ =	sdelay $0x1  }
0x99: {  	s4 =	simm.s32 $_scs_section_size  }
0x9a: {  	s5 =	simm.s32 $_size__tile_overlayer_lowered;
	s6 =	simm.s32 $_tile_overlayer_lowered  }
0x9b: {  	s22 =	simm.s32 $0x1BFF;
	s21 =	sshll.u32 s6, $0x1;
	s3 =	sadd.s32 s4, s19  }
0x9c: {  	s7 =	simm.s32 $0x0;
	s20 =	sshll.u32 s5, $0x1;
	s5 =	sadd.s32 s21, s3  }
0x9d: {  	[timem:s7], [sflag:s22] =	dma.local [hbm:s5], s20  }
0x9e: {  	_ =	swait.ge [sflag:s22], s20  }
0x9f: {  	s4 =	ssub.s32 $0x0, s20;
	[sflag:s22] =	ssyncset.done $0x0  }
0xa0: {  	[sflag:s22] =	ssyncadd.s32 s4;
	_ =	sdelay $0x1  }
0xa1: {  	s23 =	simm.s32 $0x1B8B  }
0xa2: {  	_ =	swait.ge [sflag:s23], $0x1  }
0xa3: {  	[sflag:s23] =	ssyncset.done $0x0  }
0xa4: {  	s25 =	simm.s32 $0x1B8E;
	s24 =	sld [smem:$0x3FFE];
	[sflag:s23] =	ssyncadd.s32 $0xFFFFFFFF  }
0xa5: {  	s26 =	simm.s32 $execute0_lowered;
	[smem:$0x3FD2] =	sst s25  }
0xa6: {  	s5 =	sshll.u32 s26, $0x1;
	_ =	strace $0x80000049;
	[dreg:$0x1] =	wrdreg $0xFFFFFFFF  }
0xa7: {  	s28 =	simm.s32 $_size_execute0_lowered;
	s3 =	sadd.s32 s3, s5;
	[dreg:$0x0] =	wrdreg $0x0  }
0xa8: {  	s5 =	sshll.u32 s28, $0x1;
	[dreg:$0x2] =	wrdreg s3  }
0xa9: {  	[dreg:$0x3] =	wrdreg s5  }
0xaa: {  	[dreg:$0x4] =	wrdreg $0xC0  }
0xab: {  	_ =	task [dreg:s7], $0x5FFFF  }
0xac: {  	[dreg:$0x1] =	wrdreg $0xFFFFFFFF  }
0xad: {  	[dreg:$0x0] =	wrdreg $0x60  }
0xae: {  	[dreg:$0x2] =	wrdreg s24  }
0xaf: {  	[dreg:$0x3] =	wrdreg s2  }
0xb0: {  	[dreg:$0x4] =	wrdreg $0x9  }
0xb1: {  	_ =	task.clear_ibuf [dreg:s7], $0x5FFFF;
	_ =	strace $0x90000049  }
0xb2: {  	s29 =	simm.s32 $0x9;
	_ =	strace $0x8000004B  }
0xb3: {  	_ =	swait.ge [sflag:s29], $0x1  }
0xb4: {  	[sflag:s29] =	ssyncadd.s32 $0xFFFFFFFF  }
0xb5: {  	_ =	strace $0x9000004B  }
0xb6: {  	_ =	sfence  }
0xb7: {  	s30 =	sld [smem:$0x0];
	_ =	sdelay $0x2  }
0xb8: {  	s31 =	sshll.u32 s1, $0xD;
	s1 =	sshrl.u32 s1, $0x2  }
0xb9: {  	s3 =	sand.u32 $0x4000, s31;
	s1 =	sadd.s32 s1, s30  }
0xba: {  	s0 =	sor.u32 s3, s0;
	s1 =	sshll.u32 s1, $0x11  }
0xbb: {  	s0 =	sor.u32 s1, s0  }
0xbc: {  	s0 =	sadd.s32 $0x8F2B, s0  }
0xbd: {  	[sflag:s0] =	ssyncadd.remote.s32 $0x1  }
0xbe: {  	_ =	sfence.sel $0xFFFF  }
0xbf: {  	[dreg:$0x0] =	wrdreg $0xFFFFFFFF;
	(pc) =	sbr.abs _section_cstart, $3  }
0xc0: {  	[dreg:$0x1] =	wrdreg $0xFFFFFFFF  }
0xc1: {  	_ =	task.clear_ibuf [dreg:s7], $0x2FFFF;
	_ =	strace $0x9FFFFFFF  }
0xc2: {  	(tm) =	ssettm $0x7FFFFFFF  }
0xc3: {  	_ =	shalt  }
tec
execute0_lowered:
.L_overlay_start_1:
0x0: {  	(tag) =	ssettag $0x1  }
0x1: {  	s1 =	srdreg.scid  }
0x2: {  	s0 =	stileid.u32;
	s6 =	rddreg [dreg:$0x0];
	s1 =	sand.u32 $0x1, s1  }
0x3: {  	s4 =	rddreg [dreg:$0x1];
	s3 =	sshll.u32 s0, $0x6;
	s2 =	sshll.u32 s1, $0xA  }
0x4: {  	s21 =	simm.s32 $0x40;
	s3 =	sor.u32 s3, s2;
	s2 =	simm.s32 $0x0  }
0x5: {  	s22 =	simm.s32 $0x8880;
	s23 =	simm.s32 $0x9080;
	[smem:$0x7FF] =	sst s2  }
0x6: {  	s24 =	simm.s32 $0x9880;
	_ =	strace $0x8000004A;
	[dreg:$0x9] =	wrdreg s21  }
0x7: {  	s25 =	simm.s32 $0xA080;
	s26 =	simm.s32 $0xA880;
	[dreg:$0xa] =	wrdreg s22  }
0x8: {  	s9 =	simm.s32 $0xC880;
	s10 =	simm.s32 $0xD080;
	[dreg:$0xb] =	wrdreg s23  }
0x9: {  	s11 =	simm.s32 $0xD880;
	s12 =	simm.s32 $0xE080;
	[dreg:$0xc] =	wrdreg s24  }
0xa: {  	s13 =	simm.s32 $0xE880;
	s14 =	simm.s32 $0xF080;
	[dreg:$0xd] =	wrdreg s25  }
0xb: {  	s15 =	simm.s32 $0xF880;
	s0 =	simm.s32 $0xB080;
	[dreg:$0xe] =	wrdreg s26  }
0xc: {  	s16 =	simm.s32 $0x10880;
	s17 =	simm.s32 $0x11080;
	[dreg:$0xf] =	wrdreg s0  }
0xd: {  	s28 =	simm.s32 $0x10080;
	s30 =	simm.s32 $0x17080;
	[dreg:$0x12] =	wrdreg s9  }
0xe: {  	s31 =	simm.s32 $0x17880;
	s1 =	ssub.s32 $0x2, s1;
	[dreg:$0x13] =	wrdreg s10  }
0xf: {  	s8 =	sadd.s32 $0x1600, s6;
	s29 =	sshrl.u32 s1, $0x1;
	[dreg:$0x14] =	wrdreg s11  }
0x10: {  	s5 =	sshrl.u32 s3, $0x3;
	s3 =	sshll.u32 s3, $0x7;
	[dreg:$0x15] =	wrdreg s12  }
0x11: {  	s1 =	ssub.s32 s1, s29;
	s29 =	simm.s32 $0x16080;
	[dreg:$0x16] =	wrdreg s13  }
0x12: {  	s5 =	sadd.s32 s5, s6;
	s18 =	sadd.s32 s4, s3;
	[dreg:$0x17] =	wrdreg s14  }
0x13: {  	s19 =	sor.u32 $0x1000, s3;
	s3 =	sadd.s32 s8, s3;
	[dreg:$0x18] =	wrdreg s15  }
0x14: {  	s9 =	simm.s32 $0x80;
	s10 =	simm.s32 $0x880;
	[dreg:$0x19] =	wrdreg s16  }
0x15: {  	s11 =	simm.s32 $0x1080;
	s12 =	simm.s32 $0x1880;
	[dreg:$0x1a] =	wrdreg s17  }
0x16: {  	s13 =	simm.s32 $0x2080;
	s14 =	simm.s32 $0x2880;
	[smem:$0x7FD] =	sst s29  }
0x17: {  	s15 =	simm.s32 $0x3080;
	s16 =	simm.s32 $0x3880;
	[dreg:$0x5] =	wrdreg s18  }
0x18: {  	s17 =	simm.s32 $0x4080;
	s21 =	simm.s32 $0x13080;
	[dreg:$0x7] =	wrdreg s3  }
0x19: {  	s22 =	simm.s32 $0x13880;
	s23 =	simm.s32 $0x14080;
	[dreg:$0x1e] =	wrdreg s21  }
0x1a: {  	s24 =	simm.s32 $0x14880;
	s25 =	simm.s32 $0x15080;
	[dreg:$0x1f] =	wrdreg s22  }
0x1b: {  	s26 =	simm.s32 $0x15880;
	s7 =	sadd.s32 $0xE1600, s5;
	[smem:$0x7F9] =	sst s23  }
0x1c: {  	s5 =	sadd.s32 $0xE1700, s5;
	s4 =	sadd.s32 s4, s19;
	[smem:$0x7FA] =	sst s24  }
0x1d: {  	s20 =	sadd.s32 s8, s19;
	s3 =	sadd.s32 $0xE1800, s6;
	[smem:$0x7FB] =	sst s25  }
0x1e: {  	s8 =	simm.s32 $0xC080;
	s18 =	simm.s32 $0x11880;
	[smem:$0x7FC] =	sst s26  }
0x1f: {  	s19 =	simm.s32 $0x12080;
	s21 =	simm.s32 $0x6080;
	[dreg:$0x3] =	wrdreg s7  }
0x20: {  	s22 =	simm.s32 $0x6880;
	s23 =	simm.s32 $0x7080;
	[dreg:$0x4] =	wrdreg s5  }
0x21: {  	s24 =	simm.s32 $0x7880;
	s25 =	simm.s32 $0x8080;
	[dreg:$0x6] =	wrdreg s4  }
0x22: {  	s26 =	simm.s32 $0x1;
	[dreg:$0x8] =	wrdreg s20;
	s7 =	simm.s32 $0xB880  }
0x23: {  	s4 =	sadd.s32 $0xE1900, s6;
	s5 =	sadd.s32 $0xE1A00, s6;
	[dreg:$0x11] =	wrdreg s8  }
0x24: {  	s6 =	sadd.s32 $0xE1B00, s6;
	s8 =	simm.s32 $0x3;
	[dreg:$0x1b] =	wrdreg s18  }
0x25: {  	v2 =	vlaneseq.u32;
	[dreg:$0x1c] =	wrdreg s19;
	s20 =	simm.s32 $0x12880;
	s18 =	simm.s32 $0x4880  }
0x26: {  	vm0 =	vmmov $0xffff;
	v1 =	vshrl.u32 v2, $0x3;
	s19 =	simm.s32 $0x5080;
	[dreg:$0x10] =	wrdreg s7;
	s7 =	smax.u32 s1, $0x1  }
0x27: {  	v0 =	vand.u32 $0x7, v2;
	v2 =	vor.u32 $0x8, v2;
	v1 =	vmul.u32 $0x8, v1;
	[dreg:$0x1d] =	wrdreg s20;
	s20 =	simm.s32 $0x5880;
	s1 =	simm.s32 $0x2  }
.LBB2_1:
0x28: {  	s0 =	rddreg [dreg:$0x3]  }
0x29: {  	[tilespmem:s2], [sflag:$0x3] =	stream.linear.gather [hbm4b:s0+s2], $0x40, $0x38;
	[tilespmem:$0x18080] =	vst v63  }
0x2a: {  	_ =	swait.ge [sflag:s8], $0x40  }
0x2b: {  	s0 =	rddreg [dreg:$0x4];
	[sflag:s8] =	ssyncset.done $0x0  }
0x2c: {  	s29 =	rddreg [dreg:$0x9];
	[sflag:s8] =	ssyncadd.s32 $0xFFFFFFC0  }
0x2d: {  	[tilespmem:s29], [sflag:$0x3] =	stream.linear.gather [hbm4b:s0+s2], $0x40, $0x38;
	[tilespmem:$0x18080] =	vst v63  }
0x2e: {  	_ =	swait.ge [sflag:s8], $0x40  }
0x2f: {  	[sflag:s8] =	ssyncset.done $0x0  }
0x30: {  	[sflag:s8] =	ssyncadd.s32 $0xFFFFFFC0  }
0x31: {  	v3 =	vld [tilespmem:$0x0];
	_ =	sdelay $0x4  }
0x32: {  	v4 =	vshll.u32 v3, $0x3  }
0x33: {  	v3 =	vand.u32 $0x7, v3;
	v4 =	vand.u32 $0xFFFFFFC0, v4  }
0x34: {  	v3 =	vor.u32 v3, v4  }
0x35: {  	v4 =	vperm.xlane v3, v0;
	_ =	sdelay $0x1  }
0x36: {  	v4 =	vadd.s32 v1, v4;
	_ =	sdelay $0x4  }
0x37: {  	[tilespmem:s9], [sflag:$0x1] =	stream.indirect_vreg.gather [hbm4b:s3+s2], $0x80, v4, vm0, $0xb8;
	[tilespmem:$0x18080] =	vst v63  }
0x38: {  	v3 =	vperm.xlane v3, v2  }
0x39: {  	[tilespmem:s10], [sflag:$0x1] =	stream.indirect_vreg.gather [hbm4b:s4+s2], $0x80, v4, vm0, $0xb8;
	[tilespmem:$0x18080] =	vst v63  }
0x3a: {  	v3 =	vadd.s32 v1, v3  }
0x3b: {  	[tilespmem:s11], [sflag:$0x1] =	stream.indirect_vreg.gather [hbm4b:s5+s2], $0x80, v4, vm0, $0xb8;
	[tilespmem:$0x18080] =	vst v63  }
0x3c: {  	_ = 	snop  }
0x3d: {  	[tilespmem:s12], [sflag:$0x1] =	stream.indirect_vreg.gather [hbm4b:s6+s2], $0x80, v4, vm0, $0xb8;
	[tilespmem:$0x18080] =	vst v63  }
0x3e: {  	_ = 	snop  }
0x3f: {  	[tilespmem:s13], [sflag:$0x1] =	stream.indirect_vreg.gather [hbm4b:s3+s2], $0x80, v3, vm0, $0xb8;
	[tilespmem:$0x18080] =	vst v63  }
0x40: {  	_ = 	snop  }
0x41: {  	[tilespmem:s14], [sflag:$0x1] =	stream.indirect_vreg.gather [hbm4b:s4+s2], $0x80, v3, vm0, $0xb8;
	[tilespmem:$0x18080] =	vst v63  }
0x42: {  	_ = 	snop  }
0x43: {  	[tilespmem:s15], [sflag:$0x1] =	stream.indirect_vreg.gather [hbm4b:s5+s2], $0x80, v3, vm0, $0xb8;
	[tilespmem:$0x18080] =	vst v63  }
0x44: {  	_ = 	snop  }
0x45: {  	[tilespmem:s16], [sflag:$0x1] =	stream.indirect_vreg.gather [hbm4b:s6+s2], $0x80, v3, vm0, $0xb8;
	[tilespmem:$0x18080] =	vst v63  }
0x46: {  	v3 =	vld [tilespmem:$0x10];
	_ =	sdelay $0x4  }
0x47: {  	v57 =	vshll.u32 v3, $0x3  }
0x48: {  	v3 =	vand.u32 $0x7, v3;
	v4 =	vand.u32 $0xFFFFFFC0, v57  }
0x49: {  	v3 =	vor.u32 v3, v4  }
0x4a: {  	v4 =	vperm.xlane v3, v0;
	_ =	sdelay $0x1  }
0x4b: {  	v4 =	vadd.s32 v1, v4;
	_ =	sdelay $0x4  }
0x4c: {  	[tilespmem:s17], [sflag:$0x1] =	stream.indirect_vreg.gather [hbm4b:s3+s2], $0x80, v4, vm0, $0xb8;
	[tilespmem:$0x18080] =	vst v63  }
0x4d: {  	v3 =	vperm.xlane v3, v2  }
0x4e: {  	[tilespmem:s18], [sflag:$0x1] =	stream.indirect_vreg.gather [hbm4b:s4+s2], $0x80, v4, vm0, $0xb8;
	[tilespmem:$0x18080] =	vst v63  }
0x4f: {  	v3 =	vadd.s32 v1, v3  }
0x50: {  	[tilespmem:s19], [sflag:$0x1] =	stream.indirect_vreg.gather [hbm4b:s5+s2], $0x80, v4, vm0, $0xb8;
	[tilespmem:$0x18080] =	vst v63  }
0x51: {  	_ = 	snop  }
0x52: {  	[tilespmem:s20], [sflag:$0x1] =	stream.indirect_vreg.gather [hbm4b:s6+s2], $0x80, v4, vm0, $0xb8;
	[tilespmem:$0x18080] =	vst v63  }
0x53: {  	_ = 	snop  }
0x54: {  	[tilespmem:s21], [sflag:$0x1] =	stream.indirect_vreg.gather [hbm4b:s3+s2], $0x80, v3, vm0, $0xb8;
	[tilespmem:$0x18080] =	vst v63  }
0x55: {  	_ = 	snop  }
0x56: {  	[tilespmem:s22], [sflag:$0x1] =	stream.indirect_vreg.gather [hbm4b:s4+s2], $0x80, v3, vm0, $0xb8;
	[tilespmem:$0x18080] =	vst v63  }
0x57: {  	_ = 	snop  }
0x58: {  	[tilespmem:s23], [sflag:$0x1] =	stream.indirect_vreg.gather [hbm4b:s5+s2], $0x80, v3, vm0, $0xb8;
	[tilespmem:$0x18080] =	vst v63  }
0x59: {  	_ = 	snop  }
0x5a: {  	[tilespmem:s24], [sflag:$0x1] =	stream.indirect_vreg.gather [hbm4b:s6+s2], $0x80, v3, vm0, $0xb8;
	[tilespmem:$0x18080] =	vst v63  }
0x5b: {  	v3 =	vld [tilespmem:$0x20];
	_ =	sdelay $0x4  }
0x5c: {  	v58 =	vshll.u32 v3, $0x3  }
0x5d: {  	v3 =	vand.u32 $0x7, v3;
	v4 =	vand.u32 $0xFFFFFFC0, v58  }
0x5e: {  	v3 =	vor.u32 v3, v4  }
0x5f: {  	v4 =	vperm.xlane v3, v0;
	_ =	sdelay $0x1  }
0x60: {  	v4 =	vadd.s32 v1, v4;
	_ =	sdelay $0x4  }
0x61: {  	[tilespmem:s25], [sflag:$0x1] =	stream.indirect_vreg.gather [hbm4b:s3+s2], $0x80, v4, vm0, $0xb8;
	[tilespmem:$0x18080] =	vst v63  }
0x62: {  	s0 =	rddreg [dreg:$0xa];
	v3 =	vperm.xlane v3, v2  }
0x63: {  	[tilespmem:s0], [sflag:$0x1] =	stream.indirect_vreg.gather [hbm4b:s4+s2], $0x80, v4, vm0, $0xb8;
	[tilespmem:$0x18080] =	vst v63  }
0x64: {  	s29 =	rddreg [dreg:$0xb];
	v3 =	vadd.s32 v1, v3  }
0x65: {  	[tilespmem:s29], [sflag:$0x1] =	stream.indirect_vreg.gather [hbm4b:s5+s2], $0x80, v4, vm0, $0xb8;
	[tilespmem:$0x18080] =	vst v63  }
0x66: {  	s0 =	rddreg [dreg:$0xc]  }
0x67: {  	[tilespmem:s0], [sflag:$0x1] =	stream.indirect_vreg.gather [hbm4b:s6+s2], $0x80, v4, vm0, $0xb8;
	[tilespmem:$0x18080] =	vst v63  }
0x68: {  	s29 =	rddreg [dreg:$0xd]  }
0x69: {  	[tilespmem:s29], [sflag:$0x1] =	stream.indirect_vreg.gather [hbm4b:s3+s2], $0x80, v3, vm0, $0xb8;
	[tilespmem:$0x18080] =	vst v63  }
0x6a: {  	s0 =	rddreg [dreg:$0xe]  }
0x6b: {  	[tilespmem:s0], [sflag:$0x1] =	stream.indirect_vreg.gather [hbm4b:s4+s2], $0x80, v3, vm0, $0xb8;
	[tilespmem:$0x18080] =	vst v63  }
0x6c: {  	s29 =	rddreg [dreg:$0xf]  }
0x6d: {  	[tilespmem:s29], [sflag:$0x1] =	stream.indirect_vreg.gather [hbm4b:s5+s2], $0x80, v3, vm0, $0xb8;
	[tilespmem:$0x18080] =	vst v63  }
0x6e: {  	s0 =	rddreg [dreg:$0x10]  }
0x6f: {  	[tilespmem:s0], [sflag:$0x1] =	stream.indirect_vreg.gather [hbm4b:s6+s2], $0x80, v3, vm0, $0xb8;
	[tilespmem:$0x18080] =	vst v63  }
0x70: {  	v3 =	vld [tilespmem:$0x30];
	_ =	sdelay $0x4  }
0x71: {  	v59 =	vshll.u32 v3, $0x3  }
0x72: {  	v3 =	vand.u32 $0x7, v3;
	v4 =	vand.u32 $0xFFFFFFC0, v59  }
0x73: {  	v3 =	vor.u32 v3, v4  }
0x74: {  	v4 =	vperm.xlane v3, v0;
	_ =	sdelay $0x1  }
0x75: {  	v4 =	vadd.s32 v1, v4;
	_ =	sdelay $0x3  }
0x76: {  	s0 =	rddreg [dreg:$0x11]  }
0x77: {  	[tilespmem:s0], [sflag:$0x1] =	stream.indirect_vreg.gather [hbm4b:s3+s2], $0x80, v4, vm0, $0xb8;
	[tilespmem:$0x18080] =	vst v63  }
0x78: {  	s29 =	rddreg [dreg:$0x12];
	v3 =	vperm.xlane v3, v2  }
0x79: {  	[tilespmem:s29], [sflag:$0x1] =	stream.indirect_vreg.gather [hbm4b:s4+s2], $0x80, v4, vm0, $0xb8;
	[tilespmem:$0x18080] =	vst v63  }
0x7a: {  	v3 =	vadd.s32 v1, v3;
	s0 =	rddreg [dreg:$0x13]  }
0x7b: {  	[tilespmem:s0], [sflag:$0x1] =	stream.indirect_vreg.gather [hbm4b:s5+s2], $0x80, v4, vm0, $0xb8;
	[tilespmem:$0x18080] =	vst v63  }
0x7c: {  	s29 =	rddreg [dreg:$0x14]  }
0x7d: {  	[tilespmem:s29], [sflag:$0x1] =	stream.indirect_vreg.gather [hbm4b:s6+s2], $0x80, v4, vm0, $0xb8;
	[tilespmem:$0x18080] =	vst v63  }
0x7e: {  	s0 =	rddreg [dreg:$0x15]  }
0x7f: {  	[tilespmem:s0], [sflag:$0x1] =	stream.indirect_vreg.gather [hbm4b:s3+s2], $0x80, v3, vm0, $0xb8;
	[tilespmem:$0x18080] =	vst v63  }
0x80: {  	s29 =	rddreg [dreg:$0x16]  }
0x81: {  	[tilespmem:s29], [sflag:$0x1] =	stream.indirect_vreg.gather [hbm4b:s4+s2], $0x80, v3, vm0, $0xb8;
	[tilespmem:$0x18080] =	vst v63  }
0x82: {  	s0 =	rddreg [dreg:$0x17]  }
0x83: {  	[tilespmem:s0], [sflag:$0x1] =	stream.indirect_vreg.gather [hbm4b:s5+s2], $0x80, v3, vm0, $0xb8;
	[tilespmem:$0x18080] =	vst v63  }
0x84: {  	s29 =	rddreg [dreg:$0x18]  }
0x85: {  	[tilespmem:s29], [sflag:$0x1] =	stream.indirect_vreg.gather [hbm4b:s6+s2], $0x80, v3, vm0, $0xb8;
	[tilespmem:$0x18080] =	vst v63  }
0x86: {  	_ =	swait.ge [sflag:s26], $0x8000  }
0x87: {  	[sflag:s26] =	ssyncset.done $0x0  }
0x88: {  	s29 =	rddreg [dreg:$0x5];
	[sflag:s26] =	ssyncadd.s32 $0xFFFF8000  }
0x89: {  	[hbm4b:s29+s2] =	stream.linear.scatter [tilespmem:s9], [sflag:$0x2], $0x8000, $0x38;
	[tilespmem:$0x18080] =	vst v63  }
0x8a: {  	v3 =	vld [tilespmem:$0x40];
	_ =	sdelay $0x4  }
0x8b: {  	v60 =	vshll.u32 v3, $0x3  }
0x8c: {  	v3 =	vand.u32 $0x7, v3;
	v4 =	vand.u32 $0xFFFFFFC0, v60  }
0x8d: {  	v3 =	vor.u32 v3, v4  }
0x8e: {  	v4 =	vperm.xlane v3, v0;
	_ =	sdelay $0x1  }
0x8f: {  	v4 =	vadd.s32 v1, v4;
	_ =	sdelay $0x4  }
0x90: {  	[tilespmem:s28], [sflag:$0x1] =	stream.indirect_vreg.gather [hbm4b:s3+s2], $0x80, v4, vm0, $0xb8;
	[tilespmem:$0x18080] =	vst v63  }
0x91: {  	s0 =	rddreg [dreg:$0x19];
	v3 =	vperm.xlane v3, v2  }
0x92: {  	[tilespmem:s0], [sflag:$0x1] =	stream.indirect_vreg.gather [hbm4b:s4+s2], $0x80, v4, vm0, $0xb8;
	[tilespmem:$0x18080] =	vst v63  }
0x93: {  	s29 =	rddreg [dreg:$0x1a];
	v3 =	vadd.s32 v1, v3  }
0x94: {  	[tilespmem:s29], [sflag:$0x1] =	stream.indirect_vreg.gather [hbm4b:s5+s2], $0x80, v4, vm0, $0xb8;
	[tilespmem:$0x18080] =	vst v63  }
0x95: {  	s0 =	rddreg [dreg:$0x1b]  }
0x96: {  	[tilespmem:s0], [sflag:$0x1] =	stream.indirect_vreg.gather [hbm4b:s6+s2], $0x80, v4, vm0, $0xb8;
	[tilespmem:$0x18080] =	vst v63  }
0x97: {  	s29 =	rddreg [dreg:$0x1c]  }
0x98: {  	[tilespmem:s29], [sflag:$0x1] =	stream.indirect_vreg.gather [hbm4b:s3+s2], $0x80, v3, vm0, $0xb8;
	[tilespmem:$0x18080] =	vst v63  }
0x99: {  	s0 =	rddreg [dreg:$0x1d]  }
0x9a: {  	[tilespmem:s0], [sflag:$0x1] =	stream.indirect_vreg.gather [hbm4b:s4+s2], $0x80, v3, vm0, $0xb8;
	[tilespmem:$0x18080] =	vst v63  }
0x9b: {  	s29 =	rddreg [dreg:$0x1e]  }
0x9c: {  	[tilespmem:s29], [sflag:$0x1] =	stream.indirect_vreg.gather [hbm4b:s5+s2], $0x80, v3, vm0, $0xb8;
	[tilespmem:$0x18080] =	vst v63  }
0x9d: {  	s0 =	rddreg [dreg:$0x1f]  }
0x9e: {  	[tilespmem:s0], [sflag:$0x1] =	stream.indirect_vreg.gather [hbm4b:s6+s2], $0x80, v3, vm0, $0xb8;
	[tilespmem:$0x18080] =	vst v63  }
0x9f: {  	v3 =	vld [tilespmem:$0x50];
	_ =	sdelay $0x4  }
0xa0: {  	v61 =	vshll.u32 v3, $0x3  }
0xa1: {  	v3 =	vand.u32 $0x7, v3;
	v4 =	vand.u32 $0xFFFFFFC0, v61  }
0xa2: {  	v3 =	vor.u32 v3, v4  }
0xa3: {  	v4 =	vperm.xlane v3, v0;
	_ =	sdelay $0x1  }
0xa4: {  	v4 =	vadd.s32 v1, v4;
	_ =	sdelay $0x1  }
0xa5: {  	s0 =	sld [smem:$0x7F9];
	_ =	sdelay $0x1  }
0xa6: {  	s29 =	sld [smem:$0x7FA]  }
0xa7: {  	[tilespmem:s0], [sflag:$0x1] =	stream.indirect_vreg.gather [hbm4b:s3+s2], $0x80, v4, vm0, $0xb8;
	[tilespmem:$0x18080] =	vst v63  }
0xa8: {  	v3 =	vperm.xlane v3, v2;
	s0 =	sld [smem:$0x7FB]  }
0xa9: {  	[tilespmem:s29], [sflag:$0x1] =	stream.indirect_vreg.gather [hbm4b:s4+s2], $0x80, v4, vm0, $0xb8;
	[tilespmem:$0x18080] =	vst v63  }
0xaa: {  	v3 =	vadd.s32 v1, v3;
	s29 =	sld [smem:$0x7FC]  }
0xab: {  	[tilespmem:s0], [sflag:$0x1] =	stream.indirect_vreg.gather [hbm4b:s5+s2], $0x80, v4, vm0, $0xb8;
	[tilespmem:$0x18080] =	vst v63  }
0xac: {  	s0 =	sld [smem:$0x7FD]  }
0xad: {  	[tilespmem:s29], [sflag:$0x1] =	stream.indirect_vreg.gather [hbm4b:s6+s2], $0x80, v4, vm0, $0xb8;
	[tilespmem:$0x18080] =	vst v63  }
0xae: {  	_ = 	snop  }
0xaf: {  	[tilespmem:s0], [sflag:$0x1] =	stream.indirect_vreg.gather [hbm4b:s3+s2], $0x80, v3, vm0, $0xb8;
	[tilespmem:$0x18080] =	vst v63  }
0xb0: {  	s29 =	simm.s32 $0x16880  }
0xb1: {  	[tilespmem:s29], [sflag:$0x1] =	stream.indirect_vreg.gather [hbm4b:s4+s2], $0x80, v3, vm0, $0xb8;
	[tilespmem:$0x18080] =	vst v63  }
0xb2: {  	_ = 	snop  }
0xb3: {  	[tilespmem:s30], [sflag:$0x1] =	stream.indirect_vreg.gather [hbm4b:s5+s2], $0x80, v3, vm0, $0xb8;
	[tilespmem:$0x18080] =	vst v63  }
0xb4: {  	_ = 	snop  }
0xb5: {  	[tilespmem:s31], [sflag:$0x1] =	stream.indirect_vreg.gather [hbm4b:s6+s2], $0x80, v3, vm0, $0xb8;
	[tilespmem:$0x18080] =	vst v63  }
0xb6: {  	_ =	swait.ge [sflag:s26], $0x8000  }
0xb7: {  	[sflag:s26] =	ssyncset.done $0x0  }
0xb8: {  	s29 =	rddreg [dreg:$0x6];
	[sflag:s26] =	ssyncadd.s32 $0xFFFF8000  }
0xb9: {  	[hbm4b:s29+s2] =	stream.linear.scatter [tilespmem:s25], [sflag:$0x2], $0x8000, $0x38;
	[tilespmem:$0x18080] =	vst v63  }
0xba: {  	_ =	swait.ge [sflag:s1], $0x8000  }
0xbb: {  	[sflag:s1] =	ssyncset.done $0x0  }
0xbc: {  	[sflag:s1] =	ssyncadd.s32 $0xFFFF8000  }
0xbd: {  	v3 =	vld [tilespmem:$0x60];
	_ =	sdelay $0x4  }
0xbe: {  	v62 =	vshll.u32 v3, $0x3  }
0xbf: {  	v3 =	vand.u32 $0x7, v3;
	v4 =	vand.u32 $0xFFFFFFC0, v62  }
0xc0: {  	v3 =	vor.u32 v3, v4  }
0xc1: {  	v4 =	vperm.xlane v3, v0;
	_ =	sdelay $0x1  }
0xc2: {  	v4 =	vadd.s32 v1, v4;
	_ =	sdelay $0x4  }
0xc3: {  	[tilespmem:s9], [sflag:$0x1] =	stream.indirect_vreg.gather [hbm4b:s3+s2], $0x80, v4, vm0, $0xb8;
	[tilespmem:$0x18080] =	vst v63  }
0xc4: {  	v3 =	vperm.xlane v3, v2  }
0xc5: {  	[tilespmem:s10], [sflag:$0x1] =	stream.indirect_vreg.gather [hbm4b:s4+s2], $0x80, v4, vm0, $0xb8;
	[tilespmem:$0x18080] =	vst v63  }
0xc6: {  	v3 =	vadd.s32 v1, v3  }
0xc7: {  	[tilespmem:s11], [sflag:$0x1] =	stream.indirect_vreg.gather [hbm4b:s5+s2], $0x80, v4, vm0, $0xb8;
	[tilespmem:$0x18080] =	vst v63  }
0xc8: {  	_ = 	snop  }
0xc9: {  	[tilespmem:s12], [sflag:$0x1] =	stream.indirect_vreg.gather [hbm4b:s6+s2], $0x80, v4, vm0, $0xb8;
	[tilespmem:$0x18080] =	vst v63  }
0xca: {  	_ = 	snop  }
0xcb: {  	[tilespmem:s13], [sflag:$0x1] =	stream.indirect_vreg.gather [hbm4b:s3+s2], $0x80, v3, vm0, $0xb8;
	[tilespmem:$0x18080] =	vst v63  }
0xcc: {  	_ = 	snop  }
0xcd: {  	[tilespmem:s14], [sflag:$0x1] =	stream.indirect_vreg.gather [hbm4b:s4+s2], $0x80, v3, vm0, $0xb8;
	[tilespmem:$0x18080] =	vst v63  }
0xce: {  	_ = 	snop  }
0xcf: {  	[tilespmem:s15], [sflag:$0x1] =	stream.indirect_vreg.gather [hbm4b:s5+s2], $0x80, v3, vm0, $0xb8;
	[tilespmem:$0x18080] =	vst v63  }
0xd0: {  	_ = 	snop  }
0xd1: {  	[tilespmem:s16], [sflag:$0x1] =	stream.indirect_vreg.gather [hbm4b:s6+s2], $0x80, v3, vm0, $0xb8;
	[tilespmem:$0x18080] =	vst v63  }
0xd2: {  	v3 =	vld [tilespmem:$0x70];
	_ =	sdelay $0x4  }
0xd3: {  	v63 =	vshll.u32 v3, $0x3  }
0xd4: {  	v3 =	vand.u32 $0x7, v3;
	v4 =	vand.u32 $0xFFFFFFC0, v63  }
0xd5: {  	v3 =	vor.u32 v3, v4  }
0xd6: {  	v4 =	vperm.xlane v3, v0;
	_ =	sdelay $0x1  }
0xd7: {  	v4 =	vadd.s32 v1, v4;
	_ =	sdelay $0x4  }
0xd8: {  	[tilespmem:s17], [sflag:$0x1] =	stream.indirect_vreg.gather [hbm4b:s3+s2], $0x80, v4, vm0, $0xb8;
	[tilespmem:$0x18080] =	vst v63  }
0xd9: {  	v3 =	vperm.xlane v3, v2  }
0xda: {  	[tilespmem:s18], [sflag:$0x1] =	stream.indirect_vreg.gather [hbm4b:s4+s2], $0x80, v4, vm0, $0xb8;
	[tilespmem:$0x18080] =	vst v63  }
0xdb: {  	v3 =	vadd.s32 v1, v3  }
0xdc: {  	[tilespmem:s19], [sflag:$0x1] =	stream.indirect_vreg.gather [hbm4b:s5+s2], $0x80, v4, vm0, $0xb8;
	[tilespmem:$0x18080] =	vst v63  }
0xdd: {  	_ = 	snop  }
0xde: {  	[tilespmem:s20], [sflag:$0x1] =	stream.indirect_vreg.gather [hbm4b:s6+s2], $0x80, v4, vm0, $0xb8;
	[tilespmem:$0x18080] =	vst v63  }
0xdf: {  	_ = 	snop  }
0xe0: {  	[tilespmem:s21], [sflag:$0x1] =	stream.indirect_vreg.gather [hbm4b:s3+s2], $0x80, v3, vm0, $0xb8;
	[tilespmem:$0x18080] =	vst v63  }
0xe1: {  	_ = 	snop  }
0xe2: {  	[tilespmem:s22], [sflag:$0x1] =	stream.indirect_vreg.gather [hbm4b:s4+s2], $0x80, v3, vm0, $0xb8;
	[tilespmem:$0x18080] =	vst v63  }
0xe3: {  	_ = 	snop  }
0xe4: {  	[tilespmem:s23], [sflag:$0x1] =	stream.indirect_vreg.gather [hbm4b:s5+s2], $0x80, v3, vm0, $0xb8;
	[tilespmem:$0x18080] =	vst v63  }
0xe5: {  	_ = 	snop  }
0xe6: {  	[tilespmem:s24], [sflag:$0x1] =	stream.indirect_vreg.gather [hbm4b:s6+s2], $0x80, v3, vm0, $0xb8;
	[tilespmem:$0x18080] =	vst v63  }
0xe7: {  	_ =	swait.ge [sflag:s26], $0x8000  }
0xe8: {  	[sflag:s26] =	ssyncset.done $0x0  }
0xe9: {  	s29 =	rddreg [dreg:$0x7];
	[sflag:s26] =	ssyncadd.s32 $0xFFFF8000  }
0xea: {  	[hbm4b:s29+s2] =	stream.linear.scatter [tilespmem:s28], [sflag:$0x2], $0x8000, $0x38;
	[tilespmem:$0x18080] =	vst v63  }
0xeb: {  	_ =	swait.ge [sflag:s26], $0x8000  }
0xec: {  	[sflag:s26] =	ssyncset.done $0x0  }
0xed: {  	s29 =	rddreg [dreg:$0x8];
	[sflag:s26] =	ssyncadd.s32 $0xFFFF8000  }
0xee: {  	[hbm4b:s29+s2] =	stream.linear.scatter [tilespmem:s9], [sflag:$0x2], $0x8000, $0x38;
	[tilespmem:$0x18080] =	vst v63  }
0xef: {  	_ =	swait.ge [sflag:s1], $0x8000  }
0xf0: {  	[sflag:s1] =	ssyncset.done $0x0  }
0xf1: {  	[sflag:s1] =	ssyncadd.s32 $0xFFFF8000  }
0xf2: {  	p0 =	sne.s32 s7, $0x1;
	_ =	swait.ge [sflag:s1], $0x8000  }
.Ltmp0:
0xf3: {  	[sflag:s1] =	ssyncset.done $0x0;
	(pc) =	sbr.rel @p0 .LBB2_1-.Ltmp0, $4  }
0xf4: {  	[sflag:s1] =	ssyncadd.s32 $0xFFFF8000  }
0xf5: {  	_ =	swait.ge [sflag:s1], $0x8000  }
0xf6: {  	[sflag:s1] =	ssyncset.done $0x0  }
0xf7: {  	s7 =	sadd.s32 $0xFFFFFFFF, s7;
	[sflag:s1] =	ssyncadd.s32 $0xFFFF8000  }
0xf8: {  	_ =	sfence.sel $0x180000  }
0xf9: {  	[bflag:$0x0] =	sbarrier.arrive $0xFFFF  }
0xfa: {  	_ =	strace $0x9000004A  }
0xfb: {  	s0 =	stileid.u32;
	[bflag:$0x2] =	sbarrier.arrive $0xFFFF  }
0xfc: {  	p0 =	sne.s32 s0, $0x0;
	s0 =	rddreg [dreg:$0x2]  }
0xfd: {  	s0 =	sadd.s32 @!p0 $0x100000, s0  }
0xfe: {  	[sflag:s0] =	ssyncadd.tile.s32 @!p0 $0x1;
	_ =	shalt  }
.Lfunc_end2:
_tile_overlayer_lowered:
.L_overlay_start_2:
0xff: {  	(tag) =	ssettag $0x2  }
0x100: {  	s0 =	rddreg [dreg:$0x0];
	s2 =	stileid.u32  }
0x101: {  	s1 =	rddreg [dreg:$0x1];
	p0 =	sne.s32 s2, $0x0  }
0x102: {  	s3 =	rddreg [dreg:$0x2];
	[bflag:$0x3] =	sbarrier.arrive $0xFFFF;
	s2 =	simm.s32 @!p0 $0x1C03  }
0x103: {  	[timem:s3], [sflag:s2] =	dma.local @!p0 [hbm:s0], s1  }
0x104: {  	s0 =	simm.s32 @!p0 $0x3  }
0x105: {  	_ =	swait.ge @!p0 [sflag:s0], s1  }
0x106: {  	s1 =	ssub.s32 @!p0 $0x0, s1;
	[sflag:s0] =	ssyncset.done @!p0 $0x0  }
0x107: {  	[sflag:s0] =	ssyncadd.s32 @!p0 s1  }
0x108: {  	[bflag:$0x3] =	sbarrier.arrive $0xFFFF  }
0x109: {  	_ =	shalt  }

// kernel: kernel.7.cloned.1.call-start
scs
__scs_entry_jumppad:
0x0: {  	(pc) =	sbr.rel $0x88, $3  }
0x1: {  	(tag) =	ssettag $0x0;
	lr =	simm.s32 $0x1  }
0x2: {  	[smem:$0x3F9C] =	sst lr;
	_ =	strace $0xD0000000  }
0x3: {  	_ = 	snop  }
0x4: {  	_ = 	snop  }
0x5: {  	_ = 	snop  }
0x6: {  	_ = 	snop  }
0x7: {  	_ = 	snop  }
__scs_overlays_trampoline_lowered:
0x8: {  	[smem:$0x3FAB] =	sst s0  }
0x9: {  	[smem:$0x3FAC] =	sst s1  }
0xa: {  	[smem:$0x3FAD] =	sst s2  }
0xb: {  	[smem:$0x3FAE] =	sst s3  }
0xc: {  	[smem:$0x3FAF] =	sst s4  }
0xd: {  	[smem:$0x3FB0] =	sst s5  }
0xe: {  	[smem:$0x3FB1] =	sst s6  }
0xf: {  	[smem:$0x3FB2] =	sst s7  }
0x10: {  	[smem:$0x3FB3] =	sst s8  }
0x11: {  	[smem:$0x3FB4] =	sst s9;
	s0 =	simm.s32 @!p0 $0x0  }
0x12: {  	s1 =	sld [smem:$0x3F9A];
	s0 =	simm.s32 @p0 $0x1  }
0x13: {  	[smem:$0x3FB5] =	sst s0;
	s0 =	simm.s32 @!p1 $0x0  }
0x14: {  	s2 =	sld [smem:$0x3F99];
	s0 =	simm.s32 @p1 $0x1  }
0x15: {  	[smem:$0x3FB6] =	sst s0;
	s0 =	simm.s32 @!p2 $0x0  }
0x16: {  	s3 =	sld [smem:$0x3FDB];
	s0 =	simm.s32 @p2 $0x1  }
0x17: {  	s4 =	simm.s32 $0x1BF5;
	[smem:$0x3FB8] =	sst s0  }
0x18: {  	s0 =	sld [smem:$0x3F9B];
	_ =	swait.ge [sflag:s4], $0x0  }
0x19: {  	s7 =	sld [smem:$0x3F9C]  }
0x1a: {  	s8 =	sadd.s32 $0xFFFFE003, lr  }
0x1b: {  	s9 =	sadd.s32 $0xFFFFFEF7, lr;
	s5 =	simm.s32 $0xFFFFFFFF;
	p2 =	slt.u32 s8, $0xFFFFF086  }
0x1c: {  	p1 =	slt.u32 s9, $0xF7A;
	s5 =	simm.s32 @!p2 $0x0  }
0x1d: {  	s5 =	simm.s32 @p1 $0x1;
	p0 =	seq.s32 s7, s2  }
0x1e: {  	s7 =	smul.u32 @!p0 $0xF7A, s2;
	p2 =	seq.s32 @!p0 s5, $0x0  }
0x1f: {  	s9 =	smul.u32 $0xF7A, s1;
	s8 =	simm.s32 @!p0 $0x1BF5;
	p2 =	por !p2, p0  }
0x20: {  	[sflag:s8] =	ssyncset.s32 @!p0 $0xFFFFF086;
	s6 =	sadd.s32 @!p0 s3, s7;
	s7 =	simm.s32 @!p0 $0x108  }
0x21: {  	s3 =	sadd.s32 s3, s9;
	s6 =	sadd.s32 @!p0 $0x88, s6;
	s7 =	simm.s32 @p2 $0x1082  }
0x22: {  	[simem:s7], [sflag:s8] =	dma.local @!p0 [hbm:s6], $0xF7A  }
0x23: {  	s9 =	sor.u32 $0xD0000000, s2;
	s6 =	simm.s32 $0x108;
	_ =	swait.ge @!p0 [sflag:s8], $0x0  }
0x24: {  	s3 =	sadd.s32 $0x88, s3;
	s6 =	simm.s32 @!p1 $0x1082;
	[sflag:s4] =	ssyncset.s32 $0xFFFFF086  }
0x25: {  	[simem:s6], [sflag:s4] =	dma.local [hbm:s3], $0xF7A  }
0x26: {  	[smem:$0x3F9C] =	sst s1;
	(tag) =	ssettag s2;
	_ =	strace s9  }
0x27: {  	s1 =	sld [smem:$0x3FAC]  }
0x28: {  	s2 =	sld [smem:$0x3FAD]  }
0x29: {  	s4 =	sld [smem:$0x3FAF]  }
0x2a: {  	p0 =	seq.s32 s5, $0x0;
	s5 =	sld [smem:$0x3FB0]  }
0x2b: {  	s6 =	sld [smem:$0x3FB1]  }
0x2c: {  	s7 =	sld [smem:$0x3FB2]  }
0x2d: {  	s3 =	simm.s32 $0x108;
	s8 =	sld [smem:$0x3FB3]  }
0x2e: {  	s3 =	simm.s32 @!p0 $0x1082;
	s9 =	sld [smem:$0x3FB4]  }
0x2f: {  	lr =	sadd.s32 s0, s3;
	s0 =	sld [smem:$0x3FAB]  }
0x30: {  	s3 =	sld [smem:$0x3FAE]  }
0x31: {  	[smem:$0x3FB7] =	sst s10  }
0x32: {  	s10 =	sld [smem:$0x3FB5];
	_ =	sdelay $0x3  }
0x33: {  	p0 =	seq.s32 s10, $0x1;
	s10 =	sld [smem:$0x3FB7];
	_ =	sdelay $0x3  }
0x34: {  	[smem:$0x3FB7] =	sst s10  }
0x35: {  	s10 =	sld [smem:$0x3FB6];
	_ =	sdelay $0x3  }
0x36: {  	p1 =	seq.s32 s10, $0x1;
	s10 =	sld [smem:$0x3FB7];
	_ =	sdelay $0x3  }
0x37: {  	[smem:$0x3FB7] =	sst s10  }
0x38: {  	s10 =	sld [smem:$0x3FB8]  }
0x39: {  	_ = 	snop;
	(pc) =	sbr.ind lr, $3  }
0x3a: {  	_ = 	snop  }
0x3b: {  	_ = 	snop  }
0x3c: {  	p2 =	seq.s32 s10, $0x1;
	s10 =	sld [smem:$0x3FB7]  }
0x3d: {  	_ =	shalt  }
0x3e: {  	_ =	shalt  }
0x3f: {  	_ =	shalt  }
0x40: {  	_ =	shalt  }
0x41: {  	_ =	shalt  }
0x42: {  	_ =	shalt  }
0x43: {  	_ =	shalt  }
0x44: {  	_ =	shalt  }
0x45: {  	_ =	shalt  }
0x46: {  	_ =	shalt  }
0x47: {  	_ =	shalt  }
0x48: {  	_ =	shalt  }
0x49: {  	_ =	shalt  }
0x4a: {  	_ =	shalt  }
0x4b: {  	_ =	shalt  }
0x4c: {  	_ =	shalt  }
0x4d: {  	_ =	shalt  }
0x4e: {  	_ =	shalt  }
0x4f: {  	_ =	shalt  }
0x50: {  	_ =	shalt  }
0x51: {  	_ =	shalt  }
0x52: {  	_ =	shalt  }
0x53: {  	_ =	shalt  }
0x54: {  	_ =	shalt  }
0x55: {  	_ =	shalt  }
0x56: {  	_ =	shalt  }
0x57: {  	_ =	shalt  }
0x58: {  	_ =	shalt  }
0x59: {  	_ =	shalt  }
0x5a: {  	_ =	shalt  }
0x5b: {  	_ =	shalt  }
0x5c: {  	_ =	shalt  }
0x5d: {  	_ =	shalt  }
0x5e: {  	_ =	shalt  }
0x5f: {  	_ =	shalt  }
0x60: {  	_ =	shalt  }
0x61: {  	_ =	shalt  }
0x62: {  	_ =	shalt  }
0x63: {  	_ =	shalt  }
0x64: {  	_ =	shalt  }
0x65: {  	_ =	shalt  }
0x66: {  	_ =	shalt  }
0x67: {  	_ =	shalt  }
0x68: {  	_ =	shalt  }
0x69: {  	_ =	shalt  }
0x6a: {  	_ =	shalt  }
0x6b: {  	_ =	shalt  }
0x6c: {  	_ =	shalt  }
0x6d: {  	_ =	shalt  }
0x6e: {  	_ =	shalt  }
0x6f: {  	_ =	shalt  }
0x70: {  	_ =	shalt  }
0x71: {  	_ =	shalt  }
0x72: {  	_ =	shalt  }
0x73: {  	_ =	shalt  }
0x74: {  	_ =	shalt  }
0x75: {  	_ =	shalt  }
0x76: {  	_ =	shalt  }
0x77: {  	_ =	shalt  }
0x78: {  	_ =	shalt  }
0x79: {  	_ =	shalt  }
0x7a: {  	_ =	shalt  }
0x7b: {  	_ =	shalt  }
0x7c: {  	_ =	shalt  }
0x7d: {  	_ =	shalt  }
0x7e: {  	_ =	shalt  }
0x7f: {  	_ =	shalt  }
0x80: {  	_ =	shalt  }
0x81: {  	_ =	shalt  }
0x82: {  	_ =	shalt  }
0x83: {  	_ =	shalt  }
0x84: {  	_ =	shalt  }
0x85: {  	_ =	shalt  }
0x86: {  	_ =	shalt  }
0x87: {  	_ =	shalt  }
.Lfunc_end0:
.L_simem_size_0:
called_computation_lowered:
.L_overlay_start_0:
0x88: {  	s2 =	sld [smem:$0x3FD9]  }
0x89: {  	s3 =	sld [smem:$0x3FFE];
	_ =	sdelay $0x1  }
0x8a: {  	s1 =	srdreg.scid  }
0x8b: {  	s0 =	sand.u32 $0x1, s1  }
0x8c: {  	s17 =	sshll.u32 s0, $0xA;
	s2 =	sadd.s32 s3, s2  }
0x8d: {  	s2 =	sadd.s32 s2, s17  }
0x8e: {  	[smem:$0x3FC3] =	sst s2  }
0x8f: {  	_ = 	snop  }
0x90: {  	s2 =	sld [smem:$0x3FC9]  }
0x91: {  	s18 =	sld [smem:$0x3FD0];
	(tm) =	ssettm $0x1  }
0x92: {  	s4 =	sld [smem:$0x3FFB];
	_ =	sdelay $0x3  }
0x93: {  	_ =	strace s4  }
0x94: {  	s4 =	sld [smem:$0x3FFC];
	_ =	sdelay $0x3  }
0x95: {  	_ =	strace s4  }
0x96: {  	s4 =	sld [smem:$0x3FFD];
	_ =	sdelay $0x3  }
0x97: {  	_ =	strace s4  }
0x98: {  	_ =	strace $0x8FFFFFFF  }
0x99: {  	s19 =	sld [smem:$0x3FDB];
	_ =	sdelay $0x1  }
0x9a: {  	s5 =	simm.s32 $_scs_section_size  }
0x9b: {  	s6 =	simm.s32 $_size__tile_overlayer_lowered;
	s7 =	simm.s32 $_tile_overlayer_lowered  }
0x9c: {  	s22 =	simm.s32 $0x1BFF;
	s21 =	sshll.u32 s7, $0x1;
	s4 =	sadd.s32 s5, s19  }
0x9d: {  	s8 =	simm.s32 $0x0;
	s20 =	sshll.u32 s6, $0x1;
	s6 =	sadd.s32 s21, s4  }
0x9e: {  	[timem:s8], [sflag:s22] =	dma.local [hbm:s6], s20  }
0x9f: {  	_ =	swait.ge [sflag:s22], s20  }
0xa0: {  	s5 =	ssub.s32 $0x0, s20;
	[sflag:s22] =	ssyncset.done $0x0  }
0xa1: {  	[sflag:s22] =	ssyncadd.s32 s5;
	_ =	sdelay $0x1  }
0xa2: {  	s23 =	simm.s32 $0x1B8B  }
0xa3: {  	_ =	swait.ge [sflag:s23], $0x1  }
0xa4: {  	[sflag:s23] =	ssyncset.done $0x0  }
0xa5: {  	s25 =	simm.s32 $0x1B8E;
	s24 =	sld [smem:$0x3FFE];
	[sflag:s23] =	ssyncadd.s32 $0xFFFFFFFF  }
0xa6: {  	s26 =	simm.s32 $execute0_lowered;
	[smem:$0x3FD2] =	sst s25  }
0xa7: {  	s6 =	sshll.u32 s26, $0x1;
	_ =	strace $0x80000046;
	[dreg:$0x1] =	wrdreg $0xFFFFFFFF  }
0xa8: {  	s28 =	simm.s32 $_size_execute0_lowered;
	s4 =	sadd.s32 s4, s6;
	[dreg:$0x0] =	wrdreg $0x0  }
0xa9: {  	s6 =	sshll.u32 s28, $0x1;
	[dreg:$0x2] =	wrdreg s4  }
0xaa: {  	[dreg:$0x3] =	wrdreg s6  }
0xab: {  	[dreg:$0x4] =	wrdreg $0xC0  }
0xac: {  	_ =	task [dreg:s8], $0x5FFFF  }
0xad: {  	[dreg:$0x1] =	wrdreg $0xFFFFFFFF  }
0xae: {  	[dreg:$0x0] =	wrdreg $0x60  }
0xaf: {  	[dreg:$0x2] =	wrdreg s18  }
0xb0: {  	[dreg:$0x3] =	wrdreg s2  }
0xb1: {  	[dreg:$0x4] =	wrdreg s24  }
0xb2: {  	[dreg:$0x5] =	wrdreg $0x9  }
0xb3: {  	_ =	task.clear_ibuf [dreg:s8], $0x6FFFF;
	_ =	strace $0x90000046  }
0xb4: {  	s29 =	simm.s32 $0x9;
	_ =	strace $0x80000048  }
0xb5: {  	_ =	swait.ge [sflag:s29], $0x1  }
0xb6: {  	[sflag:s29] =	ssyncadd.s32 $0xFFFFFFFF  }
0xb7: {  	_ =	strace $0x90000048  }
0xb8: {  	_ =	sfence  }
0xb9: {  	s30 =	sld [smem:$0x0];
	_ =	sdelay $0x2  }
0xba: {  	s31 =	sshll.u32 s1, $0xD;
	s1 =	sshrl.u32 s1, $0x2  }
0xbb: {  	s3 =	sand.u32 $0x4000, s31;
	s1 =	sadd.s32 s1, s30  }
0xbc: {  	s0 =	sor.u32 s3, s0;
	s1 =	sshll.u32 s1, $0x11  }
0xbd: {  	s0 =	sor.u32 s1, s0  }
0xbe: {  	s0 =	sadd.s32 $0x8F2B, s0  }
0xbf: {  	[sflag:s0] =	ssyncadd.remote.s32 $0x1  }
0xc0: {  	_ =	sfence.sel $0xFFFF  }
0xc1: {  	[dreg:$0x0] =	wrdreg $0xFFFFFFFF;
	(pc) =	sbr.abs _section_cstart, $3  }
0xc2: {  	[dreg:$0x1] =	wrdreg $0xFFFFFFFF  }
0xc3: {  	_ =	task.clear_ibuf [dreg:s8], $0x2FFFF;
	_ =	strace $0x9FFFFFFF  }
0xc4: {  	(tm) =	ssettm $0x7FFFFFFF  }
0xc5: {  	_ =	shalt  }
tec
execute0_lowered:
.L_overlay_start_1:
0x0: {  	(tag) =	ssettag $0x1  }
0x1: {  	s0 =	rddreg [dreg:$0x0]  }
0x2: {  	s3 =	rddreg [dreg:$0x1]  }
0x3: {  	s7 =	rddreg [dreg:$0x2]  }
0x4: {  	s2 =	simm.s32 $0x0;
	s4 =	srdreg.scid;
	s1 =	stileid.u32  }
0x5: {  	s19 =	simm.s32 $0x8A00;
	s20 =	simm.s32 $0x9200;
	[smem:$0x7FF] =	sst s2  }
0x6: {  	s21 =	simm.s32 $0x9A00;
	_ =	strace $0x80000047;
	[dreg:$0x8] =	wrdreg s19  }
0x7: {  	s22 =	simm.s32 $0xA200;
	s23 =	simm.s32 $0xAA00;
	[dreg:$0x9] =	wrdreg s20  }
0x8: {  	s24 =	simm.s32 $0xB200;
	s25 =	simm.s32 $0xBA00;
	[dreg:$0xa] =	wrdreg s21  }
0x9: {  	s31 =	simm.s32 $0xC200;
	s9 =	simm.s32 $0xD200;
	[dreg:$0xb] =	wrdreg s22  }
0xa: {  	s10 =	simm.s32 $0xDA00;
	s11 =	simm.s32 $0xE200;
	[dreg:$0xc] =	wrdreg s23  }
0xb: {  	s12 =	simm.s32 $0xEA00;
	s13 =	simm.s32 $0xF200;
	[dreg:$0xd] =	wrdreg s24  }
0xc: {  	s14 =	simm.s32 $0xFA00;
	s28 =	simm.s32 $0x7A00;
	[dreg:$0xe] =	wrdreg s25  }
0xd: {  	s29 =	simm.s32 $0x10200;
	s30 =	simm.s32 $0x2;
	[dreg:$0xf] =	wrdreg s31  }
0xe: {  	s5 =	sand.u32 $0x1, s4;
	s15 =	sshll.u32 s1, $0x6;
	[dreg:$0x11] =	wrdreg s9  }
0xf: {  	s6 =	sshll.u32 s1, $0xE;
	s4 =	sadd.s32 $0x1600, s7;
	[dreg:$0x12] =	wrdreg s10  }
0x10: {  	s8 =	sshll.u32 s5, $0xA;
	s0 =	sadd.s32 s0, s15;
	[dreg:$0x13] =	wrdreg s11  }
0x11: {  	s3 =	sadd.s32 s3, s6;
	s5 =	ssub.s32 $0x2, s5;
	[dreg:$0x14] =	wrdreg s12  }
0x12: {  	s6 =	simm.s32 $0xCA00;
	s9 =	simm.s32 $0x3;
	[dreg:$0x15] =	wrdreg s13  }
0x13: {  	s10 =	simm.s32 $0x200;
	s11 =	simm.s32 $0x8200;
	[dreg:$0x16] =	wrdreg s14  }
0x14: {  	s15 =	simm.s32 $0x10A00;
	s12 =	simm.s32 $0x1;
	[dreg:$0x10] =	wrdreg s6  }
0x15: {  	s13 =	simm.s32 $0xA00;
	s19 =	simm.s32 $0x12A00;
	[dreg:$0x17] =	wrdreg s15  }
0x16: {  	s14 =	simm.s32 $0x1200;
	s20 =	simm.s32 $0x13200;
	[dreg:$0x1b] =	wrdreg s19  }
0x17: {  	s21 =	simm.s32 $0x13A00;
	s22 =	simm.s32 $0x14200;
	[dreg:$0x1c] =	wrdreg s20  }
0x18: {  	s23 =	simm.s32 $0x14A00;
	s24 =	simm.s32 $0x15200;
	[dreg:$0x1d] =	wrdreg s21  }
0x19: {  	s25 =	simm.s32 $0x15A00;
	s31 =	simm.s32 $0x16A00;
	[dreg:$0x1e] =	wrdreg s22  }
0x1a: {  	s0 =	sadd.s32 s8, s0;
	s16 =	sadd.s32 $0x1000, s3;
	[dreg:$0x1f] =	wrdreg s23  }
0x1b: {  	s17 =	sadd.s32 $0x2000, s3;
	s18 =	sadd.s32 $0x3000, s3;
	[smem:$0x7FA] =	sst s24  }
0x1c: {  	s26 =	sshrl.u32 s5, $0x1;
	s6 =	sadd.s32 $0x1800, s7;
	[smem:$0x7FB] =	sst s25  }
0x1d: {  	s15 =	simm.s32 $0x1A00;
	s19 =	simm.s32 $0x3A00;
	[smem:$0x7FD] =	sst s31  }
0x1e: {  	s20 =	simm.s32 $0x4200;
	s21 =	simm.s32 $0x4A00;
	[dreg:$0x4] =	wrdreg s0  }
0x1f: {  	s22 =	simm.s32 $0x5200;
	s23 =	simm.s32 $0x5A00;
	[dreg:$0x5] =	wrdreg s16  }
0x20: {  	s24 =	simm.s32 $0x6200;
	s25 =	simm.s32 $0x6A00;
	[dreg:$0x6] =	wrdreg s17  }
0x21: {  	[dreg:$0x7] =	wrdreg s18;
	s1 =	ssub.s32 s5, s26;
	s5 =	sadd.s32 $0x1700, s7  }
0x22: {  	s7 =	sadd.s32 $0x1900, s7;
	s16 =	simm.s32 $0x11200;
	s17 =	simm.s32 $0x11A00  }
0x23: {  	s18 =	simm.s32 $0x12200;
	s26 =	simm.s32 $0x16200;
	[dreg:$0x18] =	wrdreg s16  }
0x24: {  	v2 =	vlaneseq.u32;
	s0 =	simm.s32 $0x17A00;
	s8 =	smax.u32 s1, $0x1;
	[dreg:$0x19] =	wrdreg s17  }
0x25: {  	vm0 =	vmmov $0xffff;
	v1 =	vshrl.u32 v2, $0x3;
	[dreg:$0x1a] =	wrdreg s18;
	s16 =	simm.s32 $0x2200;
	s17 =	simm.s32 $0x2A00  }
0x26: {  	v0 =	vand.u32 $0x7, v2;
	v2 =	vor.u32 $0x8, v2;
	v1 =	vmul.u32 $0x8, v1;
	s18 =	simm.s32 $0x3200;
	[smem:$0x7FC] =	sst s26;
	s26 =	simm.s32 $0x7200  }
.LBB2_1:
0x27: {  	s1 =	rddreg [dreg:$0x4]  }
0x28: {  	[tilespmem:s2], [sflag:$0x3] =	stream.linear.gather [hbm4b:s1+s2], $0x200, $0x38;
	[tilespmem:$0x18200] =	vst v63  }
0x29: {  	_ =	swait.ge [sflag:s9], $0x200  }
0x2a: {  	[sflag:s9] =	ssyncset.done $0x0  }
0x2b: {  	[sflag:s9] =	ssyncadd.s32 $0xFFFFFE00  }
0x2c: {  	[tilespmem:s10], [sflag:$0x1] =	stream.linear.gather [hbm4b:s3+s2], $0x8000, $0x38;
	[tilespmem:$0x18200] =	vst v63  }
0x2d: {  	s31 =	rddreg [dreg:$0x5]  }
0x2e: {  	[tilespmem:s11], [sflag:$0x1] =	stream.linear.gather [hbm4b:s31+s2], $0x8000, $0x38;
	[tilespmem:$0x18200] =	vst v63  }
0x2f: {  	_ =	swait.ge [sflag:s12], $0x8000  }
0x30: {  	[sflag:s12] =	ssyncset.done $0x0  }
0x31: {  	[sflag:s12] =	ssyncadd.s32 $0xFFFF8000  }
0x32: {  	v3 =	vld [tilespmem:$0x0];
	_ =	sdelay $0x4  }
0x33: {  	v4 =	vshll.u32 v3, $0x3  }
0x34: {  	v3 =	vand.u32 $0x7, v3;
	v4 =	vand.u32 $0xFFFFFFC0, v4  }
0x35: {  	v3 =	vor.u32 v3, v4  }
0x36: {  	v4 =	vperm.xlane v3, v0;
	_ =	sdelay $0x1  }
0x37: {  	v4 =	vadd.s32 v1, v4;
	_ =	sdelay $0x4  }
0x38: {  	[hbm4b:s4+s2] =	stream.indirect_vreg.scatter [tilespmem:s10], [sflag:$0x2], $0x80, v4, vm0, $0xb8;
	[tilespmem:$0x18200] =	vst v63  }
0x39: {  	v3 =	vperm.xlane v3, v2  }
0x3a: {  	[hbm4b:s5+s2] =	stream.indirect_vreg.scatter [tilespmem:s13], [sflag:$0x2], $0x80, v4, vm0, $0xb8;
	[tilespmem:$0x18200] =	vst v63  }
0x3b: {  	v3 =	vadd.s32 v1, v3  }
0x3c: {  	[hbm4b:s6+s2] =	stream.indirect_vreg.scatter [tilespmem:s14], [sflag:$0x2], $0x80, v4, vm0, $0xb8;
	[tilespmem:$0x18200] =	vst v63  }
0x3d: {  	_ = 	snop  }
0x3e: {  	[hbm4b:s7+s2] =	stream.indirect_vreg.scatter [tilespmem:s15], [sflag:$0x2], $0x80, v4, vm0, $0xb8;
	[tilespmem:$0x18200] =	vst v63  }
0x3f: {  	_ = 	snop  }
0x40: {  	[hbm4b:s4+s2] =	stream.indirect_vreg.scatter [tilespmem:s16], [sflag:$0x2], $0x80, v3, vm0, $0xb8;
	[tilespmem:$0x18200] =	vst v63  }
0x41: {  	_ = 	snop  }
0x42: {  	[hbm4b:s5+s2] =	stream.indirect_vreg.scatter [tilespmem:s17], [sflag:$0x2], $0x80, v3, vm0, $0xb8;
	[tilespmem:$0x18200] =	vst v63  }
0x43: {  	_ = 	snop  }
0x44: {  	[hbm4b:s6+s2] =	stream.indirect_vreg.scatter [tilespmem:s18], [sflag:$0x2], $0x80, v3, vm0, $0xb8;
	[tilespmem:$0x18200] =	vst v63  }
0x45: {  	_ = 	snop  }
0x46: {  	[hbm4b:s7+s2] =	stream.indirect_vreg.scatter [tilespmem:s19], [sflag:$0x2], $0x80, v3, vm0, $0xb8;
	[tilespmem:$0x18200] =	vst v63  }
0x47: {  	v3 =	vld [tilespmem:$0x10];
	_ =	sdelay $0x4  }
0x48: {  	v57 =	vshll.u32 v3, $0x3  }
0x49: {  	v3 =	vand.u32 $0x7, v3;
	v4 =	vand.u32 $0xFFFFFFC0, v57  }
0x4a: {  	v3 =	vor.u32 v3, v4  }
0x4b: {  	v4 =	vperm.xlane v3, v0;
	_ =	sdelay $0x1  }
0x4c: {  	v4 =	vadd.s32 v1, v4;
	_ =	sdelay $0x4  }
0x4d: {  	[hbm4b:s4+s2] =	stream.indirect_vreg.scatter [tilespmem:s20], [sflag:$0x2], $0x80, v4, vm0, $0xb8;
	[tilespmem:$0x18200] =	vst v63  }
0x4e: {  	v3 =	vperm.xlane v3, v2  }
0x4f: {  	[hbm4b:s5+s2] =	stream.indirect_vreg.scatter [tilespmem:s21], [sflag:$0x2], $0x80, v4, vm0, $0xb8;
	[tilespmem:$0x18200] =	vst v63  }
0x50: {  	v3 =	vadd.s32 v1, v3  }
0x51: {  	[hbm4b:s6+s2] =	stream.indirect_vreg.scatter [tilespmem:s22], [sflag:$0x2], $0x80, v4, vm0, $0xb8;
	[tilespmem:$0x18200] =	vst v63  }
0x52: {  	_ = 	snop  }
0x53: {  	[hbm4b:s7+s2] =	stream.indirect_vreg.scatter [tilespmem:s23], [sflag:$0x2], $0x80, v4, vm0, $0xb8;
	[tilespmem:$0x18200] =	vst v63  }
0x54: {  	_ = 	snop  }
0x55: {  	[hbm4b:s4+s2] =	stream.indirect_vreg.scatter [tilespmem:s24], [sflag:$0x2], $0x80, v3, vm0, $0xb8;
	[tilespmem:$0x18200] =	vst v63  }
0x56: {  	_ = 	snop  }
0x57: {  	[hbm4b:s5+s2] =	stream.indirect_vreg.scatter [tilespmem:s25], [sflag:$0x2], $0x80, v3, vm0, $0xb8;
	[tilespmem:$0x18200] =	vst v63  }
0x58: {  	_ = 	snop  }
0x59: {  	[hbm4b:s6+s2] =	stream.indirect_vreg.scatter [tilespmem:s26], [sflag:$0x2], $0x80, v3, vm0, $0xb8;
	[tilespmem:$0x18200] =	vst v63  }
0x5a: {  	_ = 	snop  }
0x5b: {  	[hbm4b:s7+s2] =	stream.indirect_vreg.scatter [tilespmem:s28], [sflag:$0x2], $0x80, v3, vm0, $0xb8;
	[tilespmem:$0x18200] =	vst v63  }
0x5c: {  	s31 =	rddreg [dreg:$0x6]  }
0x5d: {  	[tilespmem:s29], [sflag:$0x1] =	stream.linear.gather [hbm4b:s31+s2], $0x8000, $0x38;
	[tilespmem:$0x18200] =	vst v63  }
0x5e: {  	_ =	swait.ge [sflag:s12], $0x8000  }
0x5f: {  	[sflag:s12] =	ssyncset.done $0x0  }
0x60: {  	[sflag:s12] =	ssyncadd.s32 $0xFFFF8000  }
0x61: {  	v3 =	vld [tilespmem:$0x80];
	_ =	sdelay $0x4  }
0x62: {  	v58 =	vshll.u32 v3, $0x3  }
0x63: {  	v3 =	vand.u32 $0x7, v3;
	v4 =	vand.u32 $0xFFFFFFC0, v58  }
0x64: {  	v3 =	vor.u32 v3, v4  }
0x65: {  	v4 =	vperm.xlane v3, v0;
	_ =	sdelay $0x1  }
0x66: {  	v4 =	vadd.s32 v1, v4;
	_ =	sdelay $0x4  }
0x67: {  	[hbm4b:s4+s2] =	stream.indirect_vreg.scatter [tilespmem:s11], [sflag:$0x2], $0x80, v4, vm0, $0xb8;
	[tilespmem:$0x18200] =	vst v63  }
0x68: {  	s1 =	rddreg [dreg:$0x8];
	v3 =	vperm.xlane v3, v2  }
0x69: {  	[hbm4b:s5+s2] =	stream.indirect_vreg.scatter [tilespmem:s1], [sflag:$0x2], $0x80, v4, vm0, $0xb8;
	[tilespmem:$0x18200] =	vst v63  }
0x6a: {  	s31 =	rddreg [dreg:$0x9];
	v3 =	vadd.s32 v1, v3  }
0x6b: {  	[hbm4b:s6+s2] =	stream.indirect_vreg.scatter [tilespmem:s31], [sflag:$0x2], $0x80, v4, vm0, $0xb8;
	[tilespmem:$0x18200] =	vst v63  }
0x6c: {  	s1 =	rddreg [dreg:$0xa]  }
0x6d: {  	[hbm4b:s7+s2] =	stream.indirect_vreg.scatter [tilespmem:s1], [sflag:$0x2], $0x80, v4, vm0, $0xb8;
	[tilespmem:$0x18200] =	vst v63  }
0x6e: {  	s31 =	rddreg [dreg:$0xb]  }
0x6f: {  	[hbm4b:s4+s2] =	stream.indirect_vreg.scatter [tilespmem:s31], [sflag:$0x2], $0x80, v3, vm0, $0xb8;
	[tilespmem:$0x18200] =	vst v63  }
0x70: {  	s1 =	rddreg [dreg:$0xc]  }
0x71: {  	[hbm4b:s5+s2] =	stream.indirect_vreg.scatter [tilespmem:s1], [sflag:$0x2], $0x80, v3, vm0, $0xb8;
	[tilespmem:$0x18200] =	vst v63  }
0x72: {  	s31 =	rddreg [dreg:$0xd]  }
0x73: {  	[hbm4b:s6+s2] =	stream.indirect_vreg.scatter [tilespmem:s31], [sflag:$0x2], $0x80, v3, vm0, $0xb8;
	[tilespmem:$0x18200] =	vst v63  }
0x74: {  	s1 =	rddreg [dreg:$0xe]  }
0x75: {  	[hbm4b:s7+s2] =	stream.indirect_vreg.scatter [tilespmem:s1], [sflag:$0x2], $0x80, v3, vm0, $0xb8;
	[tilespmem:$0x18200] =	vst v63  }
0x76: {  	v3 =	vld [tilespmem:$0x90];
	_ =	sdelay $0x4  }
0x77: {  	v59 =	vshll.u32 v3, $0x3  }
0x78: {  	v3 =	vand.u32 $0x7, v3;
	v4 =	vand.u32 $0xFFFFFFC0, v59  }
0x79: {  	v3 =	vor.u32 v3, v4  }
0x7a: {  	v4 =	vperm.xlane v3, v0;
	_ =	sdelay $0x1  }
0x7b: {  	v4 =	vadd.s32 v1, v4;
	_ =	sdelay $0x3  }
0x7c: {  	s1 =	rddreg [dreg:$0xf]  }
0x7d: {  	[hbm4b:s4+s2] =	stream.indirect_vreg.scatter [tilespmem:s1], [sflag:$0x2], $0x80, v4, vm0, $0xb8;
	[tilespmem:$0x18200] =	vst v63  }
0x7e: {  	s31 =	rddreg [dreg:$0x10];
	v3 =	vperm.xlane v3, v2  }
0x7f: {  	[hbm4b:s5+s2] =	stream.indirect_vreg.scatter [tilespmem:s31], [sflag:$0x2], $0x80, v4, vm0, $0xb8;
	[tilespmem:$0x18200] =	vst v63  }
0x80: {  	v3 =	vadd.s32 v1, v3;
	s1 =	rddreg [dreg:$0x11]  }
0x81: {  	[hbm4b:s6+s2] =	stream.indirect_vreg.scatter [tilespmem:s1], [sflag:$0x2], $0x80, v4, vm0, $0xb8;
	[tilespmem:$0x18200] =	vst v63  }
0x82: {  	s31 =	rddreg [dreg:$0x12]  }
0x83: {  	[hbm4b:s7+s2] =	stream.indirect_vreg.scatter [tilespmem:s31], [sflag:$0x2], $0x80, v4, vm0, $0xb8;
	[tilespmem:$0x18200] =	vst v63  }
0x84: {  	s1 =	rddreg [dreg:$0x13]  }
0x85: {  	[hbm4b:s4+s2] =	stream.indirect_vreg.scatter [tilespmem:s1], [sflag:$0x2], $0x80, v3, vm0, $0xb8;
	[tilespmem:$0x18200] =	vst v63  }
0x86: {  	s31 =	rddreg [dreg:$0x14]  }
0x87: {  	[hbm4b:s5+s2] =	stream.indirect_vreg.scatter [tilespmem:s31], [sflag:$0x2], $0x80, v3, vm0, $0xb8;
	[tilespmem:$0x18200] =	vst v63  }
0x88: {  	s1 =	rddreg [dreg:$0x15]  }
0x89: {  	[hbm4b:s6+s2] =	stream.indirect_vreg.scatter [tilespmem:s1], [sflag:$0x2], $0x80, v3, vm0, $0xb8;
	[tilespmem:$0x18200] =	vst v63  }
0x8a: {  	s31 =	rddreg [dreg:$0x16]  }
0x8b: {  	[hbm4b:s7+s2] =	stream.indirect_vreg.scatter [tilespmem:s31], [sflag:$0x2], $0x80, v3, vm0, $0xb8;
	[tilespmem:$0x18200] =	vst v63  }
0x8c: {  	_ =	swait.ge [sflag:s30], $0x8000  }
0x8d: {  	[sflag:s30] =	ssyncset.done $0x0  }
0x8e: {  	s31 =	rddreg [dreg:$0x7];
	[sflag:s30] =	ssyncadd.s32 $0xFFFF8000  }
0x8f: {  	[tilespmem:s10], [sflag:$0x1] =	stream.linear.gather [hbm4b:s31+s2], $0x8000, $0x38;
	[tilespmem:$0x18200] =	vst v63  }
0x90: {  	_ =	swait.ge [sflag:s12], $0x8000  }
0x91: {  	[sflag:s12] =	ssyncset.done $0x0  }
0x92: {  	[sflag:s12] =	ssyncadd.s32 $0xFFFF8000  }
0x93: {  	v3 =	vld [tilespmem:$0x100];
	_ =	sdelay $0x4  }
0x94: {  	v60 =	vshll.u32 v3, $0x3  }
0x95: {  	v3 =	vand.u32 $0x7, v3;
	v4 =	vand.u32 $0xFFFFFFC0, v60  }
0x96: {  	v3 =	vor.u32 v3, v4  }
0x97: {  	v4 =	vperm.xlane v3, v0;
	_ =	sdelay $0x1  }
0x98: {  	v4 =	vadd.s32 v1, v4;
	_ =	sdelay $0x4  }
0x99: {  	[hbm4b:s4+s2] =	stream.indirect_vreg.scatter [tilespmem:s29], [sflag:$0x2], $0x80, v4, vm0, $0xb8;
	[tilespmem:$0x18200] =	vst v63  }
0x9a: {  	s1 =	rddreg [dreg:$0x17];
	v3 =	vperm.xlane v3, v2  }
0x9b: {  	[hbm4b:s5+s2] =	stream.indirect_vreg.scatter [tilespmem:s1], [sflag:$0x2], $0x80, v4, vm0, $0xb8;
	[tilespmem:$0x18200] =	vst v63  }
0x9c: {  	s31 =	rddreg [dreg:$0x18];
	v3 =	vadd.s32 v1, v3  }
0x9d: {  	[hbm4b:s6+s2] =	stream.indirect_vreg.scatter [tilespmem:s31], [sflag:$0x2], $0x80, v4, vm0, $0xb8;
	[tilespmem:$0x18200] =	vst v63  }
0x9e: {  	s1 =	rddreg [dreg:$0x19]  }
0x9f: {  	[hbm4b:s7+s2] =	stream.indirect_vreg.scatter [tilespmem:s1], [sflag:$0x2], $0x80, v4, vm0, $0xb8;
	[tilespmem:$0x18200] =	vst v63  }
0xa0: {  	s31 =	rddreg [dreg:$0x1a]  }
0xa1: {  	[hbm4b:s4+s2] =	stream.indirect_vreg.scatter [tilespmem:s31], [sflag:$0x2], $0x80, v3, vm0, $0xb8;
	[tilespmem:$0x18200] =	vst v63  }
0xa2: {  	s1 =	rddreg [dreg:$0x1b]  }
0xa3: {  	[hbm4b:s5+s2] =	stream.indirect_vreg.scatter [tilespmem:s1], [sflag:$0x2], $0x80, v3, vm0, $0xb8;
	[tilespmem:$0x18200] =	vst v63  }
0xa4: {  	s31 =	rddreg [dreg:$0x1c]  }
0xa5: {  	[hbm4b:s6+s2] =	stream.indirect_vreg.scatter [tilespmem:s31], [sflag:$0x2], $0x80, v3, vm0, $0xb8;
	[tilespmem:$0x18200] =	vst v63  }
0xa6: {  	s1 =	rddreg [dreg:$0x1d]  }
0xa7: {  	[hbm4b:s7+s2] =	stream.indirect_vreg.scatter [tilespmem:s1], [sflag:$0x2], $0x80, v3, vm0, $0xb8;
	[tilespmem:$0x18200] =	vst v63  }
0xa8: {  	v3 =	vld [tilespmem:$0x110];
	_ =	sdelay $0x4  }
0xa9: {  	v61 =	vshll.u32 v3, $0x3  }
0xaa: {  	v3 =	vand.u32 $0x7, v3;
	v4 =	vand.u32 $0xFFFFFFC0, v61  }
0xab: {  	v3 =	vor.u32 v3, v4  }
0xac: {  	v4 =	vperm.xlane v3, v0;
	_ =	sdelay $0x1  }
0xad: {  	v4 =	vadd.s32 v1, v4;
	_ =	sdelay $0x2  }
0xae: {  	s31 =	rddreg [dreg:$0x1f]  }
0xaf: {  	s1 =	rddreg [dreg:$0x1e]  }
0xb0: {  	[hbm4b:s4+s2] =	stream.indirect_vreg.scatter [tilespmem:s1], [sflag:$0x2], $0x80, v4, vm0, $0xb8;
	[tilespmem:$0x18200] =	vst v63  }
0xb1: {  	v3 =	vperm.xlane v3, v2;
	s1 =	sld [smem:$0x7FA]  }
0xb2: {  	[hbm4b:s5+s2] =	stream.indirect_vreg.scatter [tilespmem:s31], [sflag:$0x2], $0x80, v4, vm0, $0xb8;
	[tilespmem:$0x18200] =	vst v63  }
0xb3: {  	v3 =	vadd.s32 v1, v3;
	s31 =	sld [smem:$0x7FB]  }
0xb4: {  	[hbm4b:s6+s2] =	stream.indirect_vreg.scatter [tilespmem:s1], [sflag:$0x2], $0x80, v4, vm0, $0xb8;
	[tilespmem:$0x18200] =	vst v63  }
0xb5: {  	s1 =	sld [smem:$0x7FC]  }
0xb6: {  	[hbm4b:s7+s2] =	stream.indirect_vreg.scatter [tilespmem:s31], [sflag:$0x2], $0x80, v4, vm0, $0xb8;
	[tilespmem:$0x18200] =	vst v63  }
0xb7: {  	s31 =	sld [smem:$0x7FD]  }
0xb8: {  	[hbm4b:s4+s2] =	stream.indirect_vreg.scatter [tilespmem:s1], [sflag:$0x2], $0x80, v3, vm0, $0xb8;
	[tilespmem:$0x18200] =	vst v63  }
0xb9: {  	_ = 	snop  }
0xba: {  	[hbm4b:s5+s2] =	stream.indirect_vreg.scatter [tilespmem:s31], [sflag:$0x2], $0x80, v3, vm0, $0xb8;
	[tilespmem:$0x18200] =	vst v63  }
0xbb: {  	s31 =	simm.s32 $0x17200  }
0xbc: {  	[hbm4b:s6+s2] =	stream.indirect_vreg.scatter [tilespmem:s31], [sflag:$0x2], $0x80, v3, vm0, $0xb8;
	[tilespmem:$0x18200] =	vst v63  }
0xbd: {  	_ = 	snop  }
0xbe: {  	[hbm4b:s7+s2] =	stream.indirect_vreg.scatter [tilespmem:s0], [sflag:$0x2], $0x80, v3, vm0, $0xb8;
	[tilespmem:$0x18200] =	vst v63  }
0xbf: {  	_ =	swait.ge [sflag:s12], $0x8000  }
0xc0: {  	[sflag:s12] =	ssyncset.done $0x0  }
0xc1: {  	[sflag:s12] =	ssyncadd.s32 $0xFFFF8000  }
0xc2: {  	v3 =	vld [tilespmem:$0x180];
	_ =	sdelay $0x4  }
0xc3: {  	v62 =	vshll.u32 v3, $0x3  }
0xc4: {  	v3 =	vand.u32 $0x7, v3;
	v4 =	vand.u32 $0xFFFFFFC0, v62  }
0xc5: {  	v3 =	vor.u32 v3, v4  }
0xc6: {  	v4 =	vperm.xlane v3, v0;
	_ =	sdelay $0x1  }
0xc7: {  	v4 =	vadd.s32 v1, v4;
	_ =	sdelay $0x4  }
0xc8: {  	[hbm4b:s4+s2] =	stream.indirect_vreg.scatter [tilespmem:s10], [sflag:$0x2], $0x80, v4, vm0, $0xb8;
	[tilespmem:$0x18200] =	vst v63  }
0xc9: {  	v3 =	vperm.xlane v3, v2  }
0xca: {  	[hbm4b:s5+s2] =	stream.indirect_vreg.scatter [tilespmem:s13], [sflag:$0x2], $0x80, v4, vm0, $0xb8;
	[tilespmem:$0x18200] =	vst v63  }
0xcb: {  	v3 =	vadd.s32 v1, v3  }
0xcc: {  	[hbm4b:s6+s2] =	stream.indirect_vreg.scatter [tilespmem:s14], [sflag:$0x2], $0x80, v4, vm0, $0xb8;
	[tilespmem:$0x18200] =	vst v63  }
0xcd: {  	_ = 	snop  }
0xce: {  	[hbm4b:s7+s2] =	stream.indirect_vreg.scatter [tilespmem:s15], [sflag:$0x2], $0x80, v4, vm0, $0xb8;
	[tilespmem:$0x18200] =	vst v63  }
0xcf: {  	_ = 	snop  }
0xd0: {  	[hbm4b:s4+s2] =	stream.indirect_vreg.scatter [tilespmem:s16], [sflag:$0x2], $0x80, v3, vm0, $0xb8;
	[tilespmem:$0x18200] =	vst v63  }
0xd1: {  	_ = 	snop  }
0xd2: {  	[hbm4b:s5+s2] =	stream.indirect_vreg.scatter [tilespmem:s17], [sflag:$0x2], $0x80, v3, vm0, $0xb8;
	[tilespmem:$0x18200] =	vst v63  }
0xd3: {  	_ = 	snop  }
0xd4: {  	[hbm4b:s6+s2] =	stream.indirect_vreg.scatter [tilespmem:s18], [sflag:$0x2], $0x80, v3, vm0, $0xb8;
	[tilespmem:$0x18200] =	vst v63  }
0xd5: {  	_ = 	snop  }
0xd6: {  	[hbm4b:s7+s2] =	stream.indirect_vreg.scatter [tilespmem:s19], [sflag:$0x2], $0x80, v3, vm0, $0xb8;
	[tilespmem:$0x18200] =	vst v63  }
0xd7: {  	v3 =	vld [tilespmem:$0x190];
	_ =	sdelay $0x4  }
0xd8: {  	v63 =	vshll.u32 v3, $0x3  }
0xd9: {  	v3 =	vand.u32 $0x7, v3;
	v4 =	vand.u32 $0xFFFFFFC0, v63  }
0xda: {  	v3 =	vor.u32 v3, v4  }
0xdb: {  	v4 =	vperm.xlane v3, v0;
	_ =	sdelay $0x1  }
0xdc: {  	v4 =	vadd.s32 v1, v4;
	_ =	sdelay $0x4  }
0xdd: {  	[hbm4b:s4+s2] =	stream.indirect_vreg.scatter [tilespmem:s20], [sflag:$0x2], $0x80, v4, vm0, $0xb8;
	[tilespmem:$0x18200] =	vst v63  }
0xde: {  	v3 =	vperm.xlane v3, v2  }
0xdf: {  	[hbm4b:s5+s2] =	stream.indirect_vreg.scatter [tilespmem:s21], [sflag:$0x2], $0x80, v4, vm0, $0xb8;
	[tilespmem:$0x18200] =	vst v63  }
0xe0: {  	v3 =	vadd.s32 v1, v3  }
0xe1: {  	[hbm4b:s6+s2] =	stream.indirect_vreg.scatter [tilespmem:s22], [sflag:$0x2], $0x80, v4, vm0, $0xb8;
	[tilespmem:$0x18200] =	vst v63  }
0xe2: {  	_ = 	snop  }
0xe3: {  	[hbm4b:s7+s2] =	stream.indirect_vreg.scatter [tilespmem:s23], [sflag:$0x2], $0x80, v4, vm0, $0xb8;
	[tilespmem:$0x18200] =	vst v63  }
0xe4: {  	_ = 	snop  }
0xe5: {  	[hbm4b:s4+s2] =	stream.indirect_vreg.scatter [tilespmem:s24], [sflag:$0x2], $0x80, v3, vm0, $0xb8;
	[tilespmem:$0x18200] =	vst v63  }
0xe6: {  	_ = 	snop  }
0xe7: {  	[hbm4b:s5+s2] =	stream.indirect_vreg.scatter [tilespmem:s25], [sflag:$0x2], $0x80, v3, vm0, $0xb8;
	[tilespmem:$0x18200] =	vst v63  }
0xe8: {  	_ = 	snop  }
0xe9: {  	[hbm4b:s6+s2] =	stream.indirect_vreg.scatter [tilespmem:s26], [sflag:$0x2], $0x80, v3, vm0, $0xb8;
	[tilespmem:$0x18200] =	vst v63  }
0xea: {  	_ = 	snop  }
0xeb: {  	[hbm4b:s7+s2] =	stream.indirect_vreg.scatter [tilespmem:s28], [sflag:$0x2], $0x80, v3, vm0, $0xb8;
	[tilespmem:$0x18200] =	vst v63  }
0xec: {  	_ =	swait.ge [sflag:s30], $0x8000  }
0xed: {  	[sflag:s30] =	ssyncset.done $0x0  }
0xee: {  	[sflag:s30] =	ssyncadd.s32 $0xFFFF8000  }
0xef: {  	p0 =	sne.s32 s8, $0x1;
	_ =	swait.ge [sflag:s30], $0x8000  }
.Ltmp0:
0xf0: {  	[sflag:s30] =	ssyncset.done $0x0;
	(pc) =	sbr.rel @p0 .LBB2_1-.Ltmp0, $4  }
0xf1: {  	[sflag:s30] =	ssyncadd.s32 $0xFFFF8000  }
0xf2: {  	_ =	swait.ge [sflag:s30], $0x8000  }
0xf3: {  	[sflag:s30] =	ssyncset.done $0x0  }
0xf4: {  	s8 =	sadd.s32 $0xFFFFFFFF, s8;
	[sflag:s30] =	ssyncadd.s32 $0xFFFF8000  }
0xf5: {  	_ =	sfence.sel $0x180000  }
0xf6: {  	[bflag:$0x0] =	sbarrier.arrive $0xFFFF  }
0xf7: {  	_ =	strace $0x90000047  }
0xf8: {  	s0 =	stileid.u32;
	[bflag:$0x2] =	sbarrier.arrive $0xFFFF  }
0xf9: {  	p0 =	sne.s32 s0, $0x0;
	s0 =	rddreg [dreg:$0x3]  }
0xfa: {  	s0 =	sadd.s32 @!p0 $0x100000, s0  }
0xfb: {  	[sflag:s0] =	ssyncadd.tile.s32 @!p0 $0x1;
	_ =	shalt  }
.Lfunc_end2:
_tile_overlayer_lowered:
.L_overlay_start_2:
0xfc: {  	(tag) =	ssettag $0x2  }
0xfd: {  	s0 =	rddreg [dreg:$0x0];
	s2 =	stileid.u32  }
0xfe: {  	s1 =	rddreg [dreg:$0x1];
	p0 =	sne.s32 s2, $0x0  }
0xff: {  	s3 =	rddreg [dreg:$0x2];
	[bflag:$0x3] =	sbarrier.arrive $0xFFFF;
	s2 =	simm.s32 @!p0 $0x1C03  }
0x100: {  	[timem:s3], [sflag:s2] =	dma.local @!p0 [hbm:s0], s1  }
0x101: {  	s0 =	simm.s32 @!p0 $0x3  }
0x102: {  	_ =	swait.ge @!p0 [sflag:s0], s1  }
0x103: {  	s1 =	ssub.s32 @!p0 $0x0, s1;
	[sflag:s0] =	ssyncset.done @!p0 $0x0  }
0x104: {  	[sflag:s0] =	ssyncadd.s32 @!p0 s1  }
0x105: {  	[bflag:$0x3] =	sbarrier.arrive $0xFFFF  }
0x106: {  	_ =	shalt  }

</sc_bundles>
